<compile_context>
chip_gen: v7x
topology: tpu7x:2x2x1
jax: 0.10.2.dev20260603
libtpu: 0.0.44.dev20260713+nightly
codegen_flags: <defaults>
</compile_context>

<pallas_src>
import functools
import math

import jax
import jax.numpy as jnp
from jax import lax
from jax.experimental import pallas as pl
from jax.experimental.pallas import tpu as pltpu
from jax.experimental.pallas import tpu_sc as plsc

D_MODEL = 64
SCALE = math.sqrt(D_MODEL)

NC = 2
NS = 16
NW = NC * NS
LANES = 16
D_VECS = D_MODEL // LANES

CHUNK = 128
NBUF = 4


def _make_sc_gather(B: int):
    assert B % (NW * CHUNK * NBUF) == 0
    b_per_w = B // NW
    steps = b_per_w // CHUNK
    groups = steps // NBUF

    mesh = plsc.VectorSubcoreMesh(
        core_axis_name="c", subcore_axis_name="s",
        num_cores=NC, num_subcores=NS,
    )

    @functools.partial(
        pl.kernel,
        mesh=mesh,
        compiler_params=pltpu.CompilerParams(use_tc_tiling_on_sc=False),
        out_type=jax.ShapeDtypeStruct((B, D_MODEL), jnp.float32),
        scratch_types=[
            pltpu.VMEM((b_per_w,), jnp.int32),
            [pltpu.VMEM((CHUNK, D_MODEL), jnp.float32) for _ in range(NBUF)],
            [pltpu.VMEM((CHUNK, D_MODEL), jnp.float32) for _ in range(NBUF)],
            [pltpu.SemaphoreType.DMA for _ in range(NBUF)],
            [pltpu.SemaphoreType.DMA for _ in range(NBUF)],
        ],
    )
    def k(idx_hbm, table_hbm, out_hbm, idx_all, rows, obuf, gsem, ssem):
        wid = lax.axis_index("s") * NC + lax.axis_index("c")
        base = wid * b_per_w
        pltpu.sync_copy(idx_hbm.at[pl.ds(base, b_per_w)], idx_all)

        def gather(s, b):
            pltpu.async_copy(
                table_hbm.at[idx_all.at[pl.ds(s * CHUNK, CHUNK)]],
                rows[b], gsem[b])

        def wait_gather(s, b):
            pltpu.make_async_copy(
                table_hbm.at[idx_all.at[pl.ds(s * CHUNK, CHUNK)]],
                rows[b], gsem[b]).wait()

        def scale(b):
            @plsc.parallel_loop(0, CHUNK, 1, unroll=8)
            def body(r):
                for c in range(D_VECS):
                    sl = pl.ds(c * LANES, LANES)
                    obuf[b][r, sl] = rows[b][r, sl] * SCALE

        def store(s, b):
            pltpu.async_copy(
                obuf[b], out_hbm.at[pl.ds(base + s * CHUNK, CHUNK)], ssem[b])

        def wait_store(s, b):
            pltpu.make_async_copy(
                obuf[b], out_hbm.at[pl.ds(base + s * CHUNK, CHUNK)],
                ssem[b]).wait()

        for b in range(NBUF):
            gather(b, b)

        def group_body(g, carry):
            for b in range(NBUF):
                s = g * NBUF + b
                wait_gather(s, b)

                @pl.when(g > 0)
                def _():
                    wait_store(s - NBUF, b)

                scale(b)
                store(s, b)
                gather(s + NBUF, b)
            return carry

        lax.fori_loop(0, groups - 1, group_body, 0)

        for b in range(NBUF):
            s = (groups - 1) * NBUF + b
            wait_gather(s, b)
            wait_store(s - NBUF, b)
            scale(b)
            store(s, b)
        for b in range(NBUF):
            s = (groups - 1) * NBUF + b
            wait_store(s, b)

    return k


def kernel(x, table):
    B, T = x.shape
    flat_idx = x.reshape(-1).astype(jnp.int32)
    out = _make_sc_gather(flat_idx.shape[0])(flat_idx, table)
    return out.reshape(B, T, D_MODEL)

# --- scband reference (transcript-rebuilt; emitter-appended) ---
"""Pipeline reference for scband-embeddings-326417514894 (READ-ONLY COPY).

The authoritative reference and input builder live on the scoring server;
editing this copy changes nothing except your own understanding.
"""

import jax, jax.numpy as jnp
import numpy as np
import math

D_MODEL = 64
VOCAB = 1000000

def setup_inputs(seed: int = 0) -> dict:
    key = jax.random.key(seed)
    k1, k2 = jax.random.split(key)
    x = jax.random.randint(k1, (4096, 200), 0, VOCAB, dtype=jnp.int64) if jax.config.jax_enable_x64 else jax.random.randint(k1, (4096, 200), 0, VOCAB, dtype=jnp.int32)
    table = jax.random.normal(k2, (VOCAB, D_MODEL), dtype=jnp.float32)
    return {"x": x, "table": table}

def reference(x, table):
    # Faithful translation of: self.embedding(x) * math.sqrt(self.d_model)
    emb = jnp.take(table, x, axis=0)
    return emb * math.sqrt(D_MODEL)

if __name__ == "__main__":
    import jax
    _d = setup_inputs()
    print(jax.jit(kernel)(*tuple(_d.values())))

</pallas_src>

<mosaic_0001>
#map = affine_map<(d0, d1) -> (0)>
#map1 = affine_map<(d0, d1) -> (0, 0)>
module attributes {stable_mosaic.version = 14 : i64} {
  func.func @k(%arg0: i32, %arg1: i32, %arg2: memref<819200xi32, #tpu.memory_space<hbm>>, %arg3: memref<1000000x64xf32, #tpu.memory_space<hbm>>, %arg4: memref<819200x64xf32, #tpu.memory_space<hbm>>, %arg5: memref<25600xi32, #tpu.memory_space<vmem>>, %arg6: memref<128x64xf32, #tpu.memory_space<vmem>>, %arg7: memref<128x64xf32, #tpu.memory_space<vmem>>, %arg8: memref<128x64xf32, #tpu.memory_space<vmem>>, %arg9: memref<128x64xf32, #tpu.memory_space<vmem>>, %arg10: memref<128x64xf32, #tpu.memory_space<vmem>>, %arg11: memref<128x64xf32, #tpu.memory_space<vmem>>, %arg12: memref<128x64xf32, #tpu.memory_space<vmem>>, %arg13: memref<128x64xf32, #tpu.memory_space<vmem>>, %arg14: memref<!tpu.dma_semaphore, #tpu.memory_space<semaphore_mem>>, %arg15: memref<!tpu.dma_semaphore, #tpu.memory_space<semaphore_mem>>, %arg16: memref<!tpu.dma_semaphore, #tpu.memory_space<semaphore_mem>>, %arg17: memref<!tpu.dma_semaphore, #tpu.memory_space<semaphore_mem>>, %arg18: memref<!tpu.dma_semaphore, #tpu.memory_space<semaphore_mem>>, %arg19: memref<!tpu.dma_semaphore, #tpu.memory_space<semaphore_mem>>, %arg20: memref<!tpu.dma_semaphore, #tpu.memory_space<semaphore_mem>>, %arg21: memref<!tpu.dma_semaphore, #tpu.memory_space<semaphore_mem>>) attributes {dimension_semantics = [#tpu.dimension_semantics<core_parallel>, #tpu.dimension_semantics<subcore_parallel>], iteration_bounds = array<i64: 2, 16>, scalar_prefetch = 0 : i64, scratch_operands = 17 : i64, tpu.core_type = #tpu.core_type<sc_vector_subcore>, window_params = [{transform_indices = #map}, {transform_indices = #map1}, {transform_indices = #map1}]} {
    %mul3A = arith.constant 2 : i32
    %mul3A_0 = arith.muli %arg1, %mul3A : i32
    %add3A = arith.addi %mul3A_0, %arg0 : i32
    %mul3A_1 = arith.constant 25600 : i32
    %mul3A_2 = arith.muli %add3A, %mul3A_1 : i32
    "tpu.region"() ({
      %run_scoped3A = tpu.sem_alloc : memref<!tpu.dma_semaphore, #tpu.memory_space<semaphore_mem>>
      %dma_start3A_129 = tpu.memref_slice %arg2[%mul3A_2] : memref<819200xi32, #tpu.memory_space<hbm>> -> memref<25600xi32, #tpu.memory_space<hbm>>
      %dma_start3A_130 = tpu.memref_slice %arg2[%mul3A_2] : memref<819200xi32, #tpu.memory_space<hbm>> -> memref<25600xi32, #tpu.memory_space<hbm>>
      tpu.enqueue_dma source(%dma_start3A_130 : memref<25600xi32, #tpu.memory_space<hbm>>) target(%arg5 : memref<25600xi32, #tpu.memory_space<vmem>>) target_semaphore(%run_scoped3A : memref<!tpu.dma_semaphore, #tpu.memory_space<semaphore_mem>>)
      %dma_wait3A_131 = tpu.memref_slice %arg2[%mul3A_2] : memref<819200xi32, #tpu.memory_space<hbm>> -> memref<25600xi32, #tpu.memory_space<hbm>>
      %dma_wait3A_132 = tpu.memref_slice %arg2[%mul3A_2] : memref<819200xi32, #tpu.memory_space<hbm>> -> memref<25600xi32, #tpu.memory_space<hbm>>
      tpu.wait_dma2 semaphore(%run_scoped3A : memref<!tpu.dma_semaphore, #tpu.memory_space<semaphore_mem>>) src(%dma_wait3A_132 : memref<25600xi32, #tpu.memory_space<hbm>>) dst(%arg5 : memref<25600xi32, #tpu.memory_space<vmem>>)
      tpu.yield
    }) : () -> ()
    %dma_start3A = arith.constant 0 : i32
    %dma_start3A_3 = tpu.memref_slice %arg5[%dma_start3A] : memref<25600xi32, #tpu.memory_space<vmem>> -> memref<128xi32, #tpu.memory_space<vmem>>
    %dma_start3A_4 = arith.constant 0 : i32
    %dma_start3A_5 = arith.constant 0 : i32
    %dma_start3A_6 = tpu.memref_slice %arg3[%dma_start3A_4, %dma_start3A_5] : memref<1000000x64xf32, #tpu.memory_space<hbm>> -> memref<1000000x64xf32, #tpu.memory_space<hbm>>
    tpu.enqueue_indirect_dma source(%dma_start3A_6 : memref<1000000x64xf32, #tpu.memory_space<hbm>>) target(%arg6 : memref<128x64xf32, #tpu.memory_space<vmem>>) offsets(%dma_start3A_3 : memref<128xi32, #tpu.memory_space<vmem>>) semaphore(%arg14 : memref<!tpu.dma_semaphore, #tpu.memory_space<semaphore_mem>>)
    %dma_start3A_7 = arith.constant 128 : i32
    %dma_start3A_8 = tpu.memref_slice %arg5[%dma_start3A_7] : memref<25600xi32, #tpu.memory_space<vmem>> -> memref<128xi32, #tpu.memory_space<vmem>>
    %dma_start3A_9 = arith.constant 0 : i32
    %dma_start3A_10 = arith.constant 0 : i32
    %dma_start3A_11 = tpu.memref_slice %arg3[%dma_start3A_9, %dma_start3A_10] : memref<1000000x64xf32, #tpu.memory_space<hbm>> -> memref<1000000x64xf32, #tpu.memory_space<hbm>>
    tpu.enqueue_indirect_dma source(%dma_start3A_11 : memref<1000000x64xf32, #tpu.memory_space<hbm>>) target(%arg7 : memref<128x64xf32, #tpu.memory_space<vmem>>) offsets(%dma_start3A_8 : memref<128xi32, #tpu.memory_space<vmem>>) semaphore(%arg15 : memref<!tpu.dma_semaphore, #tpu.memory_space<semaphore_mem>>)
    %dma_start3A_12 = arith.constant 256 : i32
    %dma_start3A_13 = tpu.memref_slice %arg5[%dma_start3A_12] : memref<25600xi32, #tpu.memory_space<vmem>> -> memref<128xi32, #tpu.memory_space<vmem>>
    %dma_start3A_14 = arith.constant 0 : i32
    %dma_start3A_15 = arith.constant 0 : i32
    %dma_start3A_16 = tpu.memref_slice %arg3[%dma_start3A_14, %dma_start3A_15] : memref<1000000x64xf32, #tpu.memory_space<hbm>> -> memref<1000000x64xf32, #tpu.memory_space<hbm>>
    tpu.enqueue_indirect_dma source(%dma_start3A_16 : memref<1000000x64xf32, #tpu.memory_space<hbm>>) target(%arg8 : memref<128x64xf32, #tpu.memory_space<vmem>>) offsets(%dma_start3A_13 : memref<128xi32, #tpu.memory_space<vmem>>) semaphore(%arg16 : memref<!tpu.dma_semaphore, #tpu.memory_space<semaphore_mem>>)
    %dma_start3A_17 = arith.constant 384 : i32
    %dma_start3A_18 = tpu.memref_slice %arg5[%dma_start3A_17] : memref<25600xi32, #tpu.memory_space<vmem>> -> memref<128xi32, #tpu.memory_space<vmem>>
    %dma_start3A_19 = arith.constant 0 : i32
    %dma_start3A_20 = arith.constant 0 : i32
    %dma_start3A_21 = tpu.memref_slice %arg3[%dma_start3A_19, %dma_start3A_20] : memref<1000000x64xf32, #tpu.memory_space<hbm>> -> memref<1000000x64xf32, #tpu.memory_space<hbm>>
    tpu.enqueue_indirect_dma source(%dma_start3A_21 : memref<1000000x64xf32, #tpu.memory_space<hbm>>) target(%arg9 : memref<128x64xf32, #tpu.memory_space<vmem>>) offsets(%dma_start3A_18 : memref<128xi32, #tpu.memory_space<vmem>>) semaphore(%arg17 : memref<!tpu.dma_semaphore, #tpu.memory_space<semaphore_mem>>)
    %scan3A = arith.constant 0 : i32
    %scan3A_22 = arith.constant 0 : i32
    %scan3A_23 = arith.constant 49 : i32
    %scan3A_24 = arith.addi %scan3A_22, %scan3A_23 : i32
    %scan3A_25 = arith.constant 1 : i32
    scf.for %scan3A_129 = %scan3A_22 to %scan3A_24 step %scan3A_25  : i32 {
      %mul3A_130 = arith.constant 4 : i32
      %mul3A_131 = arith.muli %scan3A_129, %mul3A_130 : i32
      %add3A_132 = arith.constant 0 : i32
      %add3A_133 = arith.addi %mul3A_131, %add3A_132 : i32
      %mul3A_134 = arith.constant 128 : i32
      %mul3A_135 = arith.muli %add3A_133, %mul3A_134 : i32
      %dma_wait3A_136 = tpu.memref_slice %arg5[%mul3A_135] : memref<25600xi32, #tpu.memory_space<vmem>> -> memref<128xi32, #tpu.memory_space<vmem>>
      %dma_wait3A_137 = arith.constant 0 : i32
      %dma_wait3A_138 = arith.constant 0 : i32
      %dma_wait3A_139 = tpu.memref_slice %arg3[%dma_wait3A_137, %dma_wait3A_138] : memref<1000000x64xf32, #tpu.memory_space<hbm>> -> memref<1000000x64xf32, #tpu.memory_space<hbm>>
      tpu.wait_indirect_dma semaphore(%arg14 : memref<!tpu.dma_semaphore, #tpu.memory_space<semaphore_mem>>) src(%dma_wait3A_139 : memref<1000000x64xf32, #tpu.memory_space<hbm>>) dst(%arg6 : memref<128x64xf32, #tpu.memory_space<vmem>>)
      %gt3A = arith.constant 0 : i32
      %gt3A_140 = arith.cmpi sgt, %scan3A_129, %gt3A : i32
      %convert_element_type3A = arith.extui %gt3A_140 : i1 to i32
      %cond3A = arith.constant 0 : i32
      %cond3A_141 = arith.cmpi ne, %convert_element_type3A, %cond3A : i32
      scf.if %cond3A_141 {
        %sub3A = arith.constant 4 : i32
        %sub3A_259 = arith.subi %add3A_133, %sub3A : i32
        %mul3A_260 = arith.constant 128 : i32
        %mul3A_261 = arith.muli %sub3A_259, %mul3A_260 : i32
        %add3A_262 = arith.addi %mul3A_2, %mul3A_261 : i32
        %dma_wait3A_263 = arith.constant 0 : i32
        %dma_wait3A_264 = tpu.memref_slice %arg4[%add3A_262, %dma_wait3A_263] : memref<819200x64xf32, #tpu.memory_space<hbm>> -> memref<128x64xf32, #tpu.memory_space<hbm>>
        %dma_wait3A_265 = arith.constant 0 : i32
        %dma_wait3A_266 = tpu.memref_slice %arg4[%add3A_262, %dma_wait3A_265] : memref<819200x64xf32, #tpu.memory_space<hbm>> -> memref<128x64xf32, #tpu.memory_space<hbm>>
        tpu.wait_dma2 semaphore(%arg18 : memref<!tpu.dma_semaphore, #tpu.memory_space<semaphore_mem>>) src(%arg10 : memref<128x64xf32, #tpu.memory_space<vmem>>) dst(%dma_wait3A_266 : memref<128x64xf32, #tpu.memory_space<hbm>>)
      } else {
      }
      %parallel_loop3A_142 = arith.constant 0 : i32
      %parallel_loop3A_143 = arith.constant 128 : i32
      %parallel_loop3A_144 = arith.constant 1 : i32
      scf.for %parallel_loop3A_259 = %parallel_loop3A_142 to %parallel_loop3A_143 step %parallel_loop3A_144  : i32 {
        %parallel_loop3A_260 = arith.index_cast %parallel_loop3A_259 : i32 to index
        %parallel_loop3A_261 = arith.constant 0 : index
        %parallel_loop3A_262 = tpu.vector_load %arg6[%parallel_loop3A_260, %parallel_loop3A_261] {strides = array<i32>} : memref<128x64xf32, #tpu.memory_space<vmem>>, vector<1x16xf32>,
        %parallel_loop3A_263 = vector.shape_cast %parallel_loop3A_262 : vector<1x16xf32> to vector<16xf32>
        %parallel_loop3A_264 = arith.constant 8.000000e+00 : f32
        %parallel_loop3A_265 = vector.broadcast %parallel_loop3A_264 : f32 to vector<16xf32>
        %parallel_loop3A_266 = arith.mulf %parallel_loop3A_263, %parallel_loop3A_265 : vector<16xf32>
        %parallel_loop3A_267 = arith.index_cast %parallel_loop3A_259 : i32 to index
        %parallel_loop3A_268 = arith.constant 0 : index
        %parallel_loop3A_269 = tpu.vector_load %arg10[%parallel_loop3A_267, %parallel_loop3A_268] {strides = array<i32>} : memref<128x64xf32, #tpu.memory_space<vmem>>, vector<1x16xf32>,
        %parallel_loop3A_270 = vector.shape_cast %parallel_loop3A_269 : vector<1x16xf32> to vector<16xf32>
        %parallel_loop3A_271 = vector.shape_cast %parallel_loop3A_266 : vector<16xf32> to vector<1x16xf32>
        tpu.vector_store %arg10[%parallel_loop3A_267, %parallel_loop3A_268], %parallel_loop3A_271 {strides = array<i32>} : memref<128x64xf32, #tpu.memory_space<vmem>>, vector<1x16xf32>,
        %parallel_loop3A_272 = arith.index_cast %parallel_loop3A_259 : i32 to index
        %parallel_loop3A_273 = arith.constant 16 : index
        %parallel_loop3A_274 = tpu.vector_load %arg6[%parallel_loop3A_272, %parallel_loop3A_273] {strides = array<i32>} : memref<128x64xf32, #tpu.memory_space<vmem>>, vector<1x16xf32>,
        %parallel_loop3A_275 = vector.shape_cast %parallel_loop3A_274 : vector<1x16xf32> to vector<16xf32>
        %parallel_loop3A_276 = arith.constant 8.000000e+00 : f32
        %parallel_loop3A_277 = vector.broadcast %parallel_loop3A_276 : f32 to vector<16xf32>
        %parallel_loop3A_278 = arith.mulf %parallel_loop3A_275, %parallel_loop3A_277 : vector<16xf32>
        %parallel_loop3A_279 = arith.index_cast %parallel_loop3A_259 : i32 to index
        %parallel_loop3A_280 = arith.constant 16 : index
        %parallel_loop3A_281 = tpu.vector_load %arg10[%parallel_loop3A_279, %parallel_loop3A_280] {strides = array<i32>} : memref<128x64xf32, #tpu.memory_space<vmem>>, vector<1x16xf32>,
        %parallel_loop3A_282 = vector.shape_cast %parallel_loop3A_281 : vector<1x16xf32> to vector<16xf32>
        %parallel_loop3A_283 = vector.shape_cast %parallel_loop3A_278 : vector<16xf32> to vector<1x16xf32>
        tpu.vector_store %arg10[%parallel_loop3A_279, %parallel_loop3A_280], %parallel_loop3A_283 {strides = array<i32>} : memref<128x64xf32, #tpu.memory_space<vmem>>, vector<1x16xf32>,
        %parallel_loop3A_284 = arith.index_cast %parallel_loop3A_259 : i32 to index
        %parallel_loop3A_285 = arith.constant 32 : index
        %parallel_loop3A_286 = tpu.vector_load %arg6[%parallel_loop3A_284, %parallel_loop3A_285] {strides = array<i32>} : memref<128x64xf32, #tpu.memory_space<vmem>>, vector<1x16xf32>,
        %parallel_loop3A_287 = vector.shape_cast %parallel_loop3A_286 : vector<1x16xf32> to vector<16xf32>
        %parallel_loop3A_288 = arith.constant 8.000000e+00 : f32
        %parallel_loop3A_289 = vector.broadcast %parallel_loop3A_288 : f32 to vector<16xf32>
        %parallel_loop3A_290 = arith.mulf %parallel_loop3A_287, %parallel_loop3A_289 : vector<16xf32>
        %parallel_loop3A_291 = arith.index_cast %parallel_loop3A_259 : i32 to index
        %parallel_loop3A_292 = arith.constant 32 : index
        %parallel_loop3A_293 = tpu.vector_load %arg10[%parallel_loop3A_291, %parallel_loop3A_292] {strides = array<i32>} : memref<128x64xf32, #tpu.memory_space<vmem>>, vector<1x16xf32>,
        %parallel_loop3A_294 = vector.shape_cast %parallel_loop3A_293 : vector<1x16xf32> to vector<16xf32>
        %parallel_loop3A_295 = vector.shape_cast %parallel_loop3A_290 : vector<16xf32> to vector<1x16xf32>
        tpu.vector_store %arg10[%parallel_loop3A_291, %parallel_loop3A_292], %parallel_loop3A_295 {strides = array<i32>} : memref<128x64xf32, #tpu.memory_space<vmem>>, vector<1x16xf32>,
        %parallel_loop3A_296 = arith.index_cast %parallel_loop3A_259 : i32 to index
        %parallel_loop3A_297 = arith.constant 48 : index
        %parallel_loop3A_298 = tpu.vector_load %arg6[%parallel_loop3A_296, %parallel_loop3A_297] {strides = array<i32>} : memref<128x64xf32, #tpu.memory_space<vmem>>, vector<1x16xf32>,
        %parallel_loop3A_299 = vector.shape_cast %parallel_loop3A_298 : vector<1x16xf32> to vector<16xf32>
        %parallel_loop3A_300 = arith.constant 8.000000e+00 : f32
        %parallel_loop3A_301 = vector.broadcast %parallel_loop3A_300 : f32 to vector<16xf32>
        %parallel_loop3A_302 = arith.mulf %parallel_loop3A_299, %parallel_loop3A_301 : vector<16xf32>
        %parallel_loop3A_303 = arith.index_cast %parallel_loop3A_259 : i32 to index
        %parallel_loop3A_304 = arith.constant 48 : index
        %parallel_loop3A_305 = tpu.vector_load %arg10[%parallel_loop3A_303, %parallel_loop3A_304] {strides = array<i32>} : memref<128x64xf32, #tpu.memory_space<vmem>>, vector<1x16xf32>,
        %parallel_loop3A_306 = vector.shape_cast %parallel_loop3A_305 : vector<1x16xf32> to vector<16xf32>
        %parallel_loop3A_307 = vector.shape_cast %parallel_loop3A_302 : vector<16xf32> to vector<1x16xf32>
        tpu.vector_store %arg10[%parallel_loop3A_303, %parallel_loop3A_304], %parallel_loop3A_307 {strides = array<i32>} : memref<128x64xf32, #tpu.memory_space<vmem>>, vector<1x16xf32>,
      } {sc.loop_unroll_factor = 8 : i64, sc.parallel_access}
      %mul3A_145 = arith.constant 128 : i32
      %mul3A_146 = arith.muli %add3A_133, %mul3A_145 : i32
      %add3A_147 = arith.addi %mul3A_2, %mul3A_146 : i32
      %dma_start3A_148 = arith.constant 0 : i32
      %dma_start3A_149 = tpu.memref_slice %arg4[%add3A_147, %dma_start3A_148] : memref<819200x64xf32, #tpu.memory_space<hbm>> -> memref<128x64xf32, #tpu.memory_space<hbm>>
      %dma_start3A_150 = arith.constant 0 : i32
      %dma_start3A_151 = tpu.memref_slice %arg4[%add3A_147, %dma_start3A_150] : memref<819200x64xf32, #tpu.memory_space<hbm>> -> memref<128x64xf32, #tpu.memory_space<hbm>>
      tpu.enqueue_dma source(%arg10 : memref<128x64xf32, #tpu.memory_space<vmem>>) target(%dma_start3A_151 : memref<128x64xf32, #tpu.memory_space<hbm>>) target_semaphore(%arg18 : memref<!tpu.dma_semaphore, #tpu.memory_space<semaphore_mem>>)
      %add3A_152 = arith.constant 4 : i32
      %add3A_153 = arith.addi %add3A_133, %add3A_152 : i32
      %mul3A_154 = arith.constant 128 : i32
      %mul3A_155 = arith.muli %add3A_153, %mul3A_154 : i32
      %dma_start3A_156 = tpu.memref_slice %arg5[%mul3A_155] : memref<25600xi32, #tpu.memory_space<vmem>> -> memref<128xi32, #tpu.memory_space<vmem>>
      %dma_start3A_157 = arith.constant 0 : i32
      %dma_start3A_158 = arith.constant 0 : i32
      %dma_start3A_159 = tpu.memref_slice %arg3[%dma_start3A_157, %dma_start3A_158] : memref<1000000x64xf32, #tpu.memory_space<hbm>> -> memref<1000000x64xf32, #tpu.memory_space<hbm>>
      tpu.enqueue_indirect_dma source(%dma_start3A_159 : memref<1000000x64xf32, #tpu.memory_space<hbm>>) target(%arg6 : memref<128x64xf32, #tpu.memory_space<vmem>>) offsets(%dma_start3A_156 : memref<128xi32, #tpu.memory_space<vmem>>) semaphore(%arg14 : memref<!tpu.dma_semaphore, #tpu.memory_space<semaphore_mem>>)
      %mul3A_160 = arith.constant 4 : i32
      %mul3A_161 = arith.muli %scan3A_129, %mul3A_160 : i32
      %add3A_162 = arith.constant 1 : i32
      %add3A_163 = arith.addi %mul3A_161, %add3A_162 : i32
      %mul3A_164 = arith.constant 128 : i32
      %mul3A_165 = arith.muli %add3A_163, %mul3A_164 : i32
      %dma_wait3A_166 = tpu.memref_slice %arg5[%mul3A_165] : memref<25600xi32, #tpu.memory_space<vmem>> -> memref<128xi32, #tpu.memory_space<vmem>>
      %dma_wait3A_167 = arith.constant 0 : i32
      %dma_wait3A_168 = arith.constant 0 : i32
      %dma_wait3A_169 = tpu.memref_slice %arg3[%dma_wait3A_167, %dma_wait3A_168] : memref<1000000x64xf32, #tpu.memory_space<hbm>> -> memref<1000000x64xf32, #tpu.memory_space<hbm>>
      tpu.wait_indirect_dma semaphore(%arg15 : memref<!tpu.dma_semaphore, #tpu.memory_space<semaphore_mem>>) src(%dma_wait3A_169 : memref<1000000x64xf32, #tpu.memory_space<hbm>>) dst(%arg7 : memref<128x64xf32, #tpu.memory_space<vmem>>)
      %gt3A_170 = arith.constant 0 : i32
      %gt3A_171 = arith.cmpi sgt, %scan3A_129, %gt3A_170 : i32
      %convert_element_type3A_172 = arith.extui %gt3A_171 : i1 to i32
      %cond3A_173 = arith.constant 0 : i32
      %cond3A_174 = arith.cmpi ne, %convert_element_type3A_172, %cond3A_173 : i32
      scf.if %cond3A_174 {
        %sub3A = arith.constant 4 : i32
        %sub3A_259 = arith.subi %add3A_163, %sub3A : i32
        %mul3A_260 = arith.constant 128 : i32
        %mul3A_261 = arith.muli %sub3A_259, %mul3A_260 : i32
        %add3A_262 = arith.addi %mul3A_2, %mul3A_261 : i32
        %dma_wait3A_263 = arith.constant 0 : i32
        %dma_wait3A_264 = tpu.memref_slice %arg4[%add3A_262, %dma_wait3A_263] : memref<819200x64xf32, #tpu.memory_space<hbm>> -> memref<128x64xf32, #tpu.memory_space<hbm>>
        %dma_wait3A_265 = arith.constant 0 : i32
        %dma_wait3A_266 = tpu.memref_slice %arg4[%add3A_262, %dma_wait3A_265] : memref<819200x64xf32, #tpu.memory_space<hbm>> -> memref<128x64xf32, #tpu.memory_space<hbm>>
        tpu.wait_dma2 semaphore(%arg19 : memref<!tpu.dma_semaphore, #tpu.memory_space<semaphore_mem>>) src(%arg11 : memref<128x64xf32, #tpu.memory_space<vmem>>) dst(%dma_wait3A_266 : memref<128x64xf32, #tpu.memory_space<hbm>>)
      } else {
      }
      %parallel_loop3A_175 = arith.constant 0 : i32
      %parallel_loop3A_176 = arith.constant 128 : i32
      %parallel_loop3A_177 = arith.constant 1 : i32
      scf.for %parallel_loop3A_259 = %parallel_loop3A_175 to %parallel_loop3A_176 step %parallel_loop3A_177  : i32 {
        %parallel_loop3A_260 = arith.index_cast %parallel_loop3A_259 : i32 to index
        %parallel_loop3A_261 = arith.constant 0 : index
        %parallel_loop3A_262 = tpu.vector_load %arg7[%parallel_loop3A_260, %parallel_loop3A_261] {strides = array<i32>} : memref<128x64xf32, #tpu.memory_space<vmem>>, vector<1x16xf32>,
        %parallel_loop3A_263 = vector.shape_cast %parallel_loop3A_262 : vector<1x16xf32> to vector<16xf32>
        %parallel_loop3A_264 = arith.constant 8.000000e+00 : f32
        %parallel_loop3A_265 = vector.broadcast %parallel_loop3A_264 : f32 to vector<16xf32>
        %parallel_loop3A_266 = arith.mulf %parallel_loop3A_263, %parallel_loop3A_265 : vector<16xf32>
        %parallel_loop3A_267 = arith.index_cast %parallel_loop3A_259 : i32 to index
        %parallel_loop3A_268 = arith.constant 0 : index
        %parallel_loop3A_269 = tpu.vector_load %arg11[%parallel_loop3A_267, %parallel_loop3A_268] {strides = array<i32>} : memref<128x64xf32, #tpu.memory_space<vmem>>, vector<1x16xf32>,
        %parallel_loop3A_270 = vector.shape_cast %parallel_loop3A_269 : vector<1x16xf32> to vector<16xf32>
        %parallel_loop3A_271 = vector.shape_cast %parallel_loop3A_266 : vector<16xf32> to vector<1x16xf32>
        tpu.vector_store %arg11[%parallel_loop3A_267, %parallel_loop3A_268], %parallel_loop3A_271 {strides = array<i32>} : memref<128x64xf32, #tpu.memory_space<vmem>>, vector<1x16xf32>,
        %parallel_loop3A_272 = arith.index_cast %parallel_loop3A_259 : i32 to index
        %parallel_loop3A_273 = arith.constant 16 : index
        %parallel_loop3A_274 = tpu.vector_load %arg7[%parallel_loop3A_272, %parallel_loop3A_273] {strides = array<i32>} : memref<128x64xf32, #tpu.memory_space<vmem>>, vector<1x16xf32>,
        %parallel_loop3A_275 = vector.shape_cast %parallel_loop3A_274 : vector<1x16xf32> to vector<16xf32>
        %parallel_loop3A_276 = arith.constant 8.000000e+00 : f32
        %parallel_loop3A_277 = vector.broadcast %parallel_loop3A_276 : f32 to vector<16xf32>
        %parallel_loop3A_278 = arith.mulf %parallel_loop3A_275, %parallel_loop3A_277 : vector<16xf32>
        %parallel_loop3A_279 = arith.index_cast %parallel_loop3A_259 : i32 to index
        %parallel_loop3A_280 = arith.constant 16 : index
        %parallel_loop3A_281 = tpu.vector_load %arg11[%parallel_loop3A_279, %parallel_loop3A_280] {strides = array<i32>} : memref<128x64xf32, #tpu.memory_space<vmem>>, vector<1x16xf32>,
        %parallel_loop3A_282 = vector.shape_cast %parallel_loop3A_281 : vector<1x16xf32> to vector<16xf32>
        %parallel_loop3A_283 = vector.shape_cast %parallel_loop3A_278 : vector<16xf32> to vector<1x16xf32>
        tpu.vector_store %arg11[%parallel_loop3A_279, %parallel_loop3A_280], %parallel_loop3A_283 {strides = array<i32>} : memref<128x64xf32, #tpu.memory_space<vmem>>, vector<1x16xf32>,
        %parallel_loop3A_284 = arith.index_cast %parallel_loop3A_259 : i32 to index
        %parallel_loop3A_285 = arith.constant 32 : index
        %parallel_loop3A_286 = tpu.vector_load %arg7[%parallel_loop3A_284, %parallel_loop3A_285] {strides = array<i32>} : memref<128x64xf32, #tpu.memory_space<vmem>>, vector<1x16xf32>,
        %parallel_loop3A_287 = vector.shape_cast %parallel_loop3A_286 : vector<1x16xf32> to vector<16xf32>
        %parallel_loop3A_288 = arith.constant 8.000000e+00 : f32
        %parallel_loop3A_289 = vector.broadcast %parallel_loop3A_288 : f32 to vector<16xf32>
        %parallel_loop3A_290 = arith.mulf %parallel_loop3A_287, %parallel_loop3A_289 : vector<16xf32>
        %parallel_loop3A_291 = arith.index_cast %parallel_loop3A_259 : i32 to index
        %parallel_loop3A_292 = arith.constant 32 : index
        %parallel_loop3A_293 = tpu.vector_load %arg11[%parallel_loop3A_291, %parallel_loop3A_292] {strides = array<i32>} : memref<128x64xf32, #tpu.memory_space<vmem>>, vector<1x16xf32>,
        %parallel_loop3A_294 = vector.shape_cast %parallel_loop3A_293 : vector<1x16xf32> to vector<16xf32>
        %parallel_loop3A_295 = vector.shape_cast %parallel_loop3A_290 : vector<16xf32> to vector<1x16xf32>
        tpu.vector_store %arg11[%parallel_loop3A_291, %parallel_loop3A_292], %parallel_loop3A_295 {strides = array<i32>} : memref<128x64xf32, #tpu.memory_space<vmem>>, vector<1x16xf32>,
        %parallel_loop3A_296 = arith.index_cast %parallel_loop3A_259 : i32 to index
        %parallel_loop3A_297 = arith.constant 48 : index
        %parallel_loop3A_298 = tpu.vector_load %arg7[%parallel_loop3A_296, %parallel_loop3A_297] {strides = array<i32>} : memref<128x64xf32, #tpu.memory_space<vmem>>, vector<1x16xf32>,
        %parallel_loop3A_299 = vector.shape_cast %parallel_loop3A_298 : vector<1x16xf32> to vector<16xf32>
        %parallel_loop3A_300 = arith.constant 8.000000e+00 : f32
        %parallel_loop3A_301 = vector.broadcast %parallel_loop3A_300 : f32 to vector<16xf32>
        %parallel_loop3A_302 = arith.mulf %parallel_loop3A_299, %parallel_loop3A_301 : vector<16xf32>
        %parallel_loop3A_303 = arith.index_cast %parallel_loop3A_259 : i32 to index
        %parallel_loop3A_304 = arith.constant 48 : index
        %parallel_loop3A_305 = tpu.vector_load %arg11[%parallel_loop3A_303, %parallel_loop3A_304] {strides = array<i32>} : memref<128x64xf32, #tpu.memory_space<vmem>>, vector<1x16xf32>,
        %parallel_loop3A_306 = vector.shape_cast %parallel_loop3A_305 : vector<1x16xf32> to vector<16xf32>
        %parallel_loop3A_307 = vector.shape_cast %parallel_loop3A_302 : vector<16xf32> to vector<1x16xf32>
        tpu.vector_store %arg11[%parallel_loop3A_303, %parallel_loop3A_304], %parallel_loop3A_307 {strides = array<i32>} : memref<128x64xf32, #tpu.memory_space<vmem>>, vector<1x16xf32>,
      } {sc.loop_unroll_factor = 8 : i64, sc.parallel_access}
      %mul3A_178 = arith.constant 128 : i32
      %mul3A_179 = arith.muli %add3A_163, %mul3A_178 : i32
      %add3A_180 = arith.addi %mul3A_2, %mul3A_179 : i32
      %dma_start3A_181 = arith.constant 0 : i32
      %dma_start3A_182 = tpu.memref_slice %arg4[%add3A_180, %dma_start3A_181] : memref<819200x64xf32, #tpu.memory_space<hbm>> -> memref<128x64xf32, #tpu.memory_space<hbm>>
      %dma_start3A_183 = arith.constant 0 : i32
      %dma_start3A_184 = tpu.memref_slice %arg4[%add3A_180, %dma_start3A_183] : memref<819200x64xf32, #tpu.memory_space<hbm>> -> memref<128x64xf32, #tpu.memory_space<hbm>>
      tpu.enqueue_dma source(%arg11 : memref<128x64xf32, #tpu.memory_space<vmem>>) target(%dma_start3A_184 : memref<128x64xf32, #tpu.memory_space<hbm>>) target_semaphore(%arg19 : memref<!tpu.dma_semaphore, #tpu.memory_space<semaphore_mem>>)
      %add3A_185 = arith.constant 4 : i32
      %add3A_186 = arith.addi %add3A_163, %add3A_185 : i32
      %mul3A_187 = arith.constant 128 : i32
      %mul3A_188 = arith.muli %add3A_186, %mul3A_187 : i32
      %dma_start3A_189 = tpu.memref_slice %arg5[%mul3A_188] : memref<25600xi32, #tpu.memory_space<vmem>> -> memref<128xi32, #tpu.memory_space<vmem>>
      %dma_start3A_190 = arith.constant 0 : i32
      %dma_start3A_191 = arith.constant 0 : i32
      %dma_start3A_192 = tpu.memref_slice %arg3[%dma_start3A_190, %dma_start3A_191] : memref<1000000x64xf32, #tpu.memory_space<hbm>> -> memref<1000000x64xf32, #tpu.memory_space<hbm>>
      tpu.enqueue_indirect_dma source(%dma_start3A_192 : memref<1000000x64xf32, #tpu.memory_space<hbm>>) target(%arg7 : memref<128x64xf32, #tpu.memory_space<vmem>>) offsets(%dma_start3A_189 : memref<128xi32, #tpu.memory_space<vmem>>) semaphore(%arg15 : memref<!tpu.dma_semaphore, #tpu.memory_space<semaphore_mem>>)
      %mul3A_193 = arith.constant 4 : i32
      %mul3A_194 = arith.muli %scan3A_129, %mul3A_193 : i32
      %add3A_195 = arith.constant 2 : i32
      %add3A_196 = arith.addi %mul3A_194, %add3A_195 : i32
      %mul3A_197 = arith.constant 128 : i32
      %mul3A_198 = arith.muli %add3A_196, %mul3A_197 : i32
      %dma_wait3A_199 = tpu.memref_slice %arg5[%mul3A_198] : memref<25600xi32, #tpu.memory_space<vmem>> -> memref<128xi32, #tpu.memory_space<vmem>>
      %dma_wait3A_200 = arith.constant 0 : i32
      %dma_wait3A_201 = arith.constant 0 : i32
      %dma_wait3A_202 = tpu.memref_slice %arg3[%dma_wait3A_200, %dma_wait3A_201] : memref<1000000x64xf32, #tpu.memory_space<hbm>> -> memref<1000000x64xf32, #tpu.memory_space<hbm>>
      tpu.wait_indirect_dma semaphore(%arg16 : memref<!tpu.dma_semaphore, #tpu.memory_space<semaphore_mem>>) src(%dma_wait3A_202 : memref<1000000x64xf32, #tpu.memory_space<hbm>>) dst(%arg8 : memref<128x64xf32, #tpu.memory_space<vmem>>)
      %gt3A_203 = arith.constant 0 : i32
      %gt3A_204 = arith.cmpi sgt, %scan3A_129, %gt3A_203 : i32
      %convert_element_type3A_205 = arith.extui %gt3A_204 : i1 to i32
      %cond3A_206 = arith.constant 0 : i32
      %cond3A_207 = arith.cmpi ne, %convert_element_type3A_205, %cond3A_206 : i32
      scf.if %cond3A_207 {
        %sub3A = arith.constant 4 : i32
        %sub3A_259 = arith.subi %add3A_196, %sub3A : i32
        %mul3A_260 = arith.constant 128 : i32
        %mul3A_261 = arith.muli %sub3A_259, %mul3A_260 : i32
        %add3A_262 = arith.addi %mul3A_2, %mul3A_261 : i32
        %dma_wait3A_263 = arith.constant 0 : i32
        %dma_wait3A_264 = tpu.memref_slice %arg4[%add3A_262, %dma_wait3A_263] : memref<819200x64xf32, #tpu.memory_space<hbm>> -> memref<128x64xf32, #tpu.memory_space<hbm>>
        %dma_wait3A_265 = arith.constant 0 : i32
        %dma_wait3A_266 = tpu.memref_slice %arg4[%add3A_262, %dma_wait3A_265] : memref<819200x64xf32, #tpu.memory_space<hbm>> -> memref<128x64xf32, #tpu.memory_space<hbm>>
        tpu.wait_dma2 semaphore(%arg20 : memref<!tpu.dma_semaphore, #tpu.memory_space<semaphore_mem>>) src(%arg12 : memref<128x64xf32, #tpu.memory_space<vmem>>) dst(%dma_wait3A_266 : memref<128x64xf32, #tpu.memory_space<hbm>>)
      } else {
      }
      %parallel_loop3A_208 = arith.constant 0 : i32
      %parallel_loop3A_209 = arith.constant 128 : i32
      %parallel_loop3A_210 = arith.constant 1 : i32
      scf.for %parallel_loop3A_259 = %parallel_loop3A_208 to %parallel_loop3A_209 step %parallel_loop3A_210  : i32 {
        %parallel_loop3A_260 = arith.index_cast %parallel_loop3A_259 : i32 to index
        %parallel_loop3A_261 = arith.constant 0 : index
        %parallel_loop3A_262 = tpu.vector_load %arg8[%parallel_loop3A_260, %parallel_loop3A_261] {strides = array<i32>} : memref<128x64xf32, #tpu.memory_space<vmem>>, vector<1x16xf32>,
        %parallel_loop3A_263 = vector.shape_cast %parallel_loop3A_262 : vector<1x16xf32> to vector<16xf32>
        %parallel_loop3A_264 = arith.constant 8.000000e+00 : f32
        %parallel_loop3A_265 = vector.broadcast %parallel_loop3A_264 : f32 to vector<16xf32>
        %parallel_loop3A_266 = arith.mulf %parallel_loop3A_263, %parallel_loop3A_265 : vector<16xf32>
        %parallel_loop3A_267 = arith.index_cast %parallel_loop3A_259 : i32 to index
        %parallel_loop3A_268 = arith.constant 0 : index
        %parallel_loop3A_269 = tpu.vector_load %arg12[%parallel_loop3A_267, %parallel_loop3A_268] {strides = array<i32>} : memref<128x64xf32, #tpu.memory_space<vmem>>, vector<1x16xf32>,
        %parallel_loop3A_270 = vector.shape_cast %parallel_loop3A_269 : vector<1x16xf32> to vector<16xf32>
        %parallel_loop3A_271 = vector.shape_cast %parallel_loop3A_266 : vector<16xf32> to vector<1x16xf32>
        tpu.vector_store %arg12[%parallel_loop3A_267, %parallel_loop3A_268], %parallel_loop3A_271 {strides = array<i32>} : memref<128x64xf32, #tpu.memory_space<vmem>>, vector<1x16xf32>,
        %parallel_loop3A_272 = arith.index_cast %parallel_loop3A_259 : i32 to index
        %parallel_loop3A_273 = arith.constant 16 : index
        %parallel_loop3A_274 = tpu.vector_load %arg8[%parallel_loop3A_272, %parallel_loop3A_273] {strides = array<i32>} : memref<128x64xf32, #tpu.memory_space<vmem>>, vector<1x16xf32>,
        %parallel_loop3A_275 = vector.shape_cast %parallel_loop3A_274 : vector<1x16xf32> to vector<16xf32>
        %parallel_loop3A_276 = arith.constant 8.000000e+00 : f32
        %parallel_loop3A_277 = vector.broadcast %parallel_loop3A_276 : f32 to vector<16xf32>
        %parallel_loop3A_278 = arith.mulf %parallel_loop3A_275, %parallel_loop3A_277 : vector<16xf32>
        %parallel_loop3A_279 = arith.index_cast %parallel_loop3A_259 : i32 to index
        %parallel_loop3A_280 = arith.constant 16 : index
        %parallel_loop3A_281 = tpu.vector_load %arg12[%parallel_loop3A_279, %parallel_loop3A_280] {strides = array<i32>} : memref<128x64xf32, #tpu.memory_space<vmem>>, vector<1x16xf32>,
        %parallel_loop3A_282 = vector.shape_cast %parallel_loop3A_281 : vector<1x16xf32> to vector<16xf32>
        %parallel_loop3A_283 = vector.shape_cast %parallel_loop3A_278 : vector<16xf32> to vector<1x16xf32>
        tpu.vector_store %arg12[%parallel_loop3A_279, %parallel_loop3A_280], %parallel_loop3A_283 {strides = array<i32>} : memref<128x64xf32, #tpu.memory_space<vmem>>, vector<1x16xf32>,
        %parallel_loop3A_284 = arith.index_cast %parallel_loop3A_259 : i32 to index
        %parallel_loop3A_285 = arith.constant 32 : index
        %parallel_loop3A_286 = tpu.vector_load %arg8[%parallel_loop3A_284, %parallel_loop3A_285] {strides = array<i32>} : memref<128x64xf32, #tpu.memory_space<vmem>>, vector<1x16xf32>,
        %parallel_loop3A_287 = vector.shape_cast %parallel_loop3A_286 : vector<1x16xf32> to vector<16xf32>
        %parallel_loop3A_288 = arith.constant 8.000000e+00 : f32
        %parallel_loop3A_289 = vector.broadcast %parallel_loop3A_288 : f32 to vector<16xf32>
        %parallel_loop3A_290 = arith.mulf %parallel_loop3A_287, %parallel_loop3A_289 : vector<16xf32>
        %parallel_loop3A_291 = arith.index_cast %parallel_loop3A_259 : i32 to index
        %parallel_loop3A_292 = arith.constant 32 : index
        %parallel_loop3A_293 = tpu.vector_load %arg12[%parallel_loop3A_291, %parallel_loop3A_292] {strides = array<i32>} : memref<128x64xf32, #tpu.memory_space<vmem>>, vector<1x16xf32>,
        %parallel_loop3A_294 = vector.shape_cast %parallel_loop3A_293 : vector<1x16xf32> to vector<16xf32>
        %parallel_loop3A_295 = vector.shape_cast %parallel_loop3A_290 : vector<16xf32> to vector<1x16xf32>
        tpu.vector_store %arg12[%parallel_loop3A_291, %parallel_loop3A_292], %parallel_loop3A_295 {strides = array<i32>} : memref<128x64xf32, #tpu.memory_space<vmem>>, vector<1x16xf32>,
        %parallel_loop3A_296 = arith.index_cast %parallel_loop3A_259 : i32 to index
        %parallel_loop3A_297 = arith.constant 48 : index
        %parallel_loop3A_298 = tpu.vector_load %arg8[%parallel_loop3A_296, %parallel_loop3A_297] {strides = array<i32>} : memref<128x64xf32, #tpu.memory_space<vmem>>, vector<1x16xf32>,
        %parallel_loop3A_299 = vector.shape_cast %parallel_loop3A_298 : vector<1x16xf32> to vector<16xf32>
        %parallel_loop3A_300 = arith.constant 8.000000e+00 : f32
        %parallel_loop3A_301 = vector.broadcast %parallel_loop3A_300 : f32 to vector<16xf32>
        %parallel_loop3A_302 = arith.mulf %parallel_loop3A_299, %parallel_loop3A_301 : vector<16xf32>
        %parallel_loop3A_303 = arith.index_cast %parallel_loop3A_259 : i32 to index
        %parallel_loop3A_304 = arith.constant 48 : index
        %parallel_loop3A_305 = tpu.vector_load %arg12[%parallel_loop3A_303, %parallel_loop3A_304] {strides = array<i32>} : memref<128x64xf32, #tpu.memory_space<vmem>>, vector<1x16xf32>,
        %parallel_loop3A_306 = vector.shape_cast %parallel_loop3A_305 : vector<1x16xf32> to vector<16xf32>
        %parallel_loop3A_307 = vector.shape_cast %parallel_loop3A_302 : vector<16xf32> to vector<1x16xf32>
        tpu.vector_store %arg12[%parallel_loop3A_303, %parallel_loop3A_304], %parallel_loop3A_307 {strides = array<i32>} : memref<128x64xf32, #tpu.memory_space<vmem>>, vector<1x16xf32>,
      } {sc.loop_unroll_factor = 8 : i64, sc.parallel_access}
      %mul3A_211 = arith.constant 128 : i32
      %mul3A_212 = arith.muli %add3A_196, %mul3A_211 : i32
      %add3A_213 = arith.addi %mul3A_2, %mul3A_212 : i32
      %dma_start3A_214 = arith.constant 0 : i32
      %dma_start3A_215 = tpu.memref_slice %arg4[%add3A_213, %dma_start3A_214] : memref<819200x64xf32, #tpu.memory_space<hbm>> -> memref<128x64xf32, #tpu.memory_space<hbm>>
      %dma_start3A_216 = arith.constant 0 : i32
      %dma_start3A_217 = tpu.memref_slice %arg4[%add3A_213, %dma_start3A_216] : memref<819200x64xf32, #tpu.memory_space<hbm>> -> memref<128x64xf32, #tpu.memory_space<hbm>>
      tpu.enqueue_dma source(%arg12 : memref<128x64xf32, #tpu.memory_space<vmem>>) target(%dma_start3A_217 : memref<128x64xf32, #tpu.memory_space<hbm>>) target_semaphore(%arg20 : memref<!tpu.dma_semaphore, #tpu.memory_space<semaphore_mem>>)
      %add3A_218 = arith.constant 4 : i32
      %add3A_219 = arith.addi %add3A_196, %add3A_218 : i32
      %mul3A_220 = arith.constant 128 : i32
      %mul3A_221 = arith.muli %add3A_219, %mul3A_220 : i32
      %dma_start3A_222 = tpu.memref_slice %arg5[%mul3A_221] : memref<25600xi32, #tpu.memory_space<vmem>> -> memref<128xi32, #tpu.memory_space<vmem>>
      %dma_start3A_223 = arith.constant 0 : i32
      %dma_start3A_224 = arith.constant 0 : i32
      %dma_start3A_225 = tpu.memref_slice %arg3[%dma_start3A_223, %dma_start3A_224] : memref<1000000x64xf32, #tpu.memory_space<hbm>> -> memref<1000000x64xf32, #tpu.memory_space<hbm>>
      tpu.enqueue_indirect_dma source(%dma_start3A_225 : memref<1000000x64xf32, #tpu.memory_space<hbm>>) target(%arg8 : memref<128x64xf32, #tpu.memory_space<vmem>>) offsets(%dma_start3A_222 : memref<128xi32, #tpu.memory_space<vmem>>) semaphore(%arg16 : memref<!tpu.dma_semaphore, #tpu.memory_space<semaphore_mem>>)
      %mul3A_226 = arith.constant 4 : i32
      %mul3A_227 = arith.muli %scan3A_129, %mul3A_226 : i32
      %add3A_228 = arith.constant 3 : i32
      %add3A_229 = arith.addi %mul3A_227, %add3A_228 : i32
      %mul3A_230 = arith.constant 128 : i32
      %mul3A_231 = arith.muli %add3A_229, %mul3A_230 : i32
      %dma_wait3A_232 = tpu.memref_slice %arg5[%mul3A_231] : memref<25600xi32, #tpu.memory_space<vmem>> -> memref<128xi32, #tpu.memory_space<vmem>>
      %dma_wait3A_233 = arith.constant 0 : i32
      %dma_wait3A_234 = arith.constant 0 : i32
      %dma_wait3A_235 = tpu.memref_slice %arg3[%dma_wait3A_233, %dma_wait3A_234] : memref<1000000x64xf32, #tpu.memory_space<hbm>> -> memref<1000000x64xf32, #tpu.memory_space<hbm>>
      tpu.wait_indirect_dma semaphore(%arg17 : memref<!tpu.dma_semaphore, #tpu.memory_space<semaphore_mem>>) src(%dma_wait3A_235 : memref<1000000x64xf32, #tpu.memory_space<hbm>>) dst(%arg9 : memref<128x64xf32, #tpu.memory_space<vmem>>)
      %gt3A_236 = arith.constant 0 : i32
      %gt3A_237 = arith.cmpi sgt, %scan3A_129, %gt3A_236 : i32
      %convert_element_type3A_238 = arith.extui %gt3A_237 : i1 to i32
      %cond3A_239 = arith.constant 0 : i32
      %cond3A_240 = arith.cmpi ne, %convert_element_type3A_238, %cond3A_239 : i32
      scf.if %cond3A_240 {
        %sub3A = arith.constant 4 : i32
        %sub3A_259 = arith.subi %add3A_229, %sub3A : i32
        %mul3A_260 = arith.constant 128 : i32
        %mul3A_261 = arith.muli %sub3A_259, %mul3A_260 : i32
        %add3A_262 = arith.addi %mul3A_2, %mul3A_261 : i32
        %dma_wait3A_263 = arith.constant 0 : i32
        %dma_wait3A_264 = tpu.memref_slice %arg4[%add3A_262, %dma_wait3A_263] : memref<819200x64xf32, #tpu.memory_space<hbm>> -> memref<128x64xf32, #tpu.memory_space<hbm>>
        %dma_wait3A_265 = arith.constant 0 : i32
        %dma_wait3A_266 = tpu.memref_slice %arg4[%add3A_262, %dma_wait3A_265] : memref<819200x64xf32, #tpu.memory_space<hbm>> -> memref<128x64xf32, #tpu.memory_space<hbm>>
        tpu.wait_dma2 semaphore(%arg21 : memref<!tpu.dma_semaphore, #tpu.memory_space<semaphore_mem>>) src(%arg13 : memref<128x64xf32, #tpu.memory_space<vmem>>) dst(%dma_wait3A_266 : memref<128x64xf32, #tpu.memory_space<hbm>>)
      } else {
      }
      %parallel_loop3A_241 = arith.constant 0 : i32
      %parallel_loop3A_242 = arith.constant 128 : i32
      %parallel_loop3A_243 = arith.constant 1 : i32
      scf.for %parallel_loop3A_259 = %parallel_loop3A_241 to %parallel_loop3A_242 step %parallel_loop3A_243  : i32 {
        %parallel_loop3A_260 = arith.index_cast %parallel_loop3A_259 : i32 to index
        %parallel_loop3A_261 = arith.constant 0 : index
        %parallel_loop3A_262 = tpu.vector_load %arg9[%parallel_loop3A_260, %parallel_loop3A_261] {strides = array<i32>} : memref<128x64xf32, #tpu.memory_space<vmem>>, vector<1x16xf32>,
        %parallel_loop3A_263 = vector.shape_cast %parallel_loop3A_262 : vector<1x16xf32> to vector<16xf32>
        %parallel_loop3A_264 = arith.constant 8.000000e+00 : f32
        %parallel_loop3A_265 = vector.broadcast %parallel_loop3A_264 : f32 to vector<16xf32>
        %parallel_loop3A_266 = arith.mulf %parallel_loop3A_263, %parallel_loop3A_265 : vector<16xf32>
        %parallel_loop3A_267 = arith.index_cast %parallel_loop3A_259 : i32 to index
        %parallel_loop3A_268 = arith.constant 0 : index
        %parallel_loop3A_269 = tpu.vector_load %arg13[%parallel_loop3A_267, %parallel_loop3A_268] {strides = array<i32>} : memref<128x64xf32, #tpu.memory_space<vmem>>, vector<1x16xf32>,
        %parallel_loop3A_270 = vector.shape_cast %parallel_loop3A_269 : vector<1x16xf32> to vector<16xf32>
        %parallel_loop3A_271 = vector.shape_cast %parallel_loop3A_266 : vector<16xf32> to vector<1x16xf32>
        tpu.vector_store %arg13[%parallel_loop3A_267, %parallel_loop3A_268], %parallel_loop3A_271 {strides = array<i32>} : memref<128x64xf32, #tpu.memory_space<vmem>>, vector<1x16xf32>,
        %parallel_loop3A_272 = arith.index_cast %parallel_loop3A_259 : i32 to index
        %parallel_loop3A_273 = arith.constant 16 : index
        %parallel_loop3A_274 = tpu.vector_load %arg9[%parallel_loop3A_272, %parallel_loop3A_273] {strides = array<i32>} : memref<128x64xf32, #tpu.memory_space<vmem>>, vector<1x16xf32>,
        %parallel_loop3A_275 = vector.shape_cast %parallel_loop3A_274 : vector<1x16xf32> to vector<16xf32>
        %parallel_loop3A_276 = arith.constant 8.000000e+00 : f32
        %parallel_loop3A_277 = vector.broadcast %parallel_loop3A_276 : f32 to vector<16xf32>
        %parallel_loop3A_278 = arith.mulf %parallel_loop3A_275, %parallel_loop3A_277 : vector<16xf32>
        %parallel_loop3A_279 = arith.index_cast %parallel_loop3A_259 : i32 to index
        %parallel_loop3A_280 = arith.constant 16 : index
        %parallel_loop3A_281 = tpu.vector_load %arg13[%parallel_loop3A_279, %parallel_loop3A_280] {strides = array<i32>} : memref<128x64xf32, #tpu.memory_space<vmem>>, vector<1x16xf32>,
        %parallel_loop3A_282 = vector.shape_cast %parallel_loop3A_281 : vector<1x16xf32> to vector<16xf32>
        %parallel_loop3A_283 = vector.shape_cast %parallel_loop3A_278 : vector<16xf32> to vector<1x16xf32>
        tpu.vector_store %arg13[%parallel_loop3A_279, %parallel_loop3A_280], %parallel_loop3A_283 {strides = array<i32>} : memref<128x64xf32, #tpu.memory_space<vmem>>, vector<1x16xf32>,
        %parallel_loop3A_284 = arith.index_cast %parallel_loop3A_259 : i32 to index
        %parallel_loop3A_285 = arith.constant 32 : index
        %parallel_loop3A_286 = tpu.vector_load %arg9[%parallel_loop3A_284, %parallel_loop3A_285] {strides = array<i32>} : memref<128x64xf32, #tpu.memory_space<vmem>>, vector<1x16xf32>,
        %parallel_loop3A_287 = vector.shape_cast %parallel_loop3A_286 : vector<1x16xf32> to vector<16xf32>
        %parallel_loop3A_288 = arith.constant 8.000000e+00 : f32
        %parallel_loop3A_289 = vector.broadcast %parallel_loop3A_288 : f32 to vector<16xf32>
        %parallel_loop3A_290 = arith.mulf %parallel_loop3A_287, %parallel_loop3A_289 : vector<16xf32>
        %parallel_loop3A_291 = arith.index_cast %parallel_loop3A_259 : i32 to index
        %parallel_loop3A_292 = arith.constant 32 : index
        %parallel_loop3A_293 = tpu.vector_load %arg13[%parallel_loop3A_291, %parallel_loop3A_292] {strides = array<i32>} : memref<128x64xf32, #tpu.memory_space<vmem>>, vector<1x16xf32>,
        %parallel_loop3A_294 = vector.shape_cast %parallel_loop3A_293 : vector<1x16xf32> to vector<16xf32>
        %parallel_loop3A_295 = vector.shape_cast %parallel_loop3A_290 : vector<16xf32> to vector<1x16xf32>
        tpu.vector_store %arg13[%parallel_loop3A_291, %parallel_loop3A_292], %parallel_loop3A_295 {strides = array<i32>} : memref<128x64xf32, #tpu.memory_space<vmem>>, vector<1x16xf32>,
        %parallel_loop3A_296 = arith.index_cast %parallel_loop3A_259 : i32 to index
        %parallel_loop3A_297 = arith.constant 48 : index
        %parallel_loop3A_298 = tpu.vector_load %arg9[%parallel_loop3A_296, %parallel_loop3A_297] {strides = array<i32>} : memref<128x64xf32, #tpu.memory_space<vmem>>, vector<1x16xf32>,
        %parallel_loop3A_299 = vector.shape_cast %parallel_loop3A_298 : vector<1x16xf32> to vector<16xf32>
        %parallel_loop3A_300 = arith.constant 8.000000e+00 : f32
        %parallel_loop3A_301 = vector.broadcast %parallel_loop3A_300 : f32 to vector<16xf32>
        %parallel_loop3A_302 = arith.mulf %parallel_loop3A_299, %parallel_loop3A_301 : vector<16xf32>
        %parallel_loop3A_303 = arith.index_cast %parallel_loop3A_259 : i32 to index
        %parallel_loop3A_304 = arith.constant 48 : index
        %parallel_loop3A_305 = tpu.vector_load %arg13[%parallel_loop3A_303, %parallel_loop3A_304] {strides = array<i32>} : memref<128x64xf32, #tpu.memory_space<vmem>>, vector<1x16xf32>,
        %parallel_loop3A_306 = vector.shape_cast %parallel_loop3A_305 : vector<1x16xf32> to vector<16xf32>
        %parallel_loop3A_307 = vector.shape_cast %parallel_loop3A_302 : vector<16xf32> to vector<1x16xf32>
        tpu.vector_store %arg13[%parallel_loop3A_303, %parallel_loop3A_304], %parallel_loop3A_307 {strides = array<i32>} : memref<128x64xf32, #tpu.memory_space<vmem>>, vector<1x16xf32>,
      } {sc.loop_unroll_factor = 8 : i64, sc.parallel_access}
      %mul3A_244 = arith.constant 128 : i32
      %mul3A_245 = arith.muli %add3A_229, %mul3A_244 : i32
      %add3A_246 = arith.addi %mul3A_2, %mul3A_245 : i32
      %dma_start3A_247 = arith.constant 0 : i32
      %dma_start3A_248 = tpu.memref_slice %arg4[%add3A_246, %dma_start3A_247] : memref<819200x64xf32, #tpu.memory_space<hbm>> -> memref<128x64xf32, #tpu.memory_space<hbm>>
      %dma_start3A_249 = arith.constant 0 : i32
      %dma_start3A_250 = tpu.memref_slice %arg4[%add3A_246, %dma_start3A_249] : memref<819200x64xf32, #tpu.memory_space<hbm>> -> memref<128x64xf32, #tpu.memory_space<hbm>>
      tpu.enqueue_dma source(%arg13 : memref<128x64xf32, #tpu.memory_space<vmem>>) target(%dma_start3A_250 : memref<128x64xf32, #tpu.memory_space<hbm>>) target_semaphore(%arg21 : memref<!tpu.dma_semaphore, #tpu.memory_space<semaphore_mem>>)
      %add3A_251 = arith.constant 4 : i32
      %add3A_252 = arith.addi %add3A_229, %add3A_251 : i32
      %mul3A_253 = arith.constant 128 : i32
      %mul3A_254 = arith.muli %add3A_252, %mul3A_253 : i32
      %dma_start3A_255 = tpu.memref_slice %arg5[%mul3A_254] : memref<25600xi32, #tpu.memory_space<vmem>> -> memref<128xi32, #tpu.memory_space<vmem>>
      %dma_start3A_256 = arith.constant 0 : i32
      %dma_start3A_257 = arith.constant 0 : i32
      %dma_start3A_258 = tpu.memref_slice %arg3[%dma_start3A_256, %dma_start3A_257] : memref<1000000x64xf32, #tpu.memory_space<hbm>> -> memref<1000000x64xf32, #tpu.memory_space<hbm>>
      tpu.enqueue_indirect_dma source(%dma_start3A_258 : memref<1000000x64xf32, #tpu.memory_space<hbm>>) target(%arg9 : memref<128x64xf32, #tpu.memory_space<vmem>>) offsets(%dma_start3A_255 : memref<128xi32, #tpu.memory_space<vmem>>) semaphore(%arg17 : memref<!tpu.dma_semaphore, #tpu.memory_space<semaphore_mem>>)
    }
    %scan3A_26 = arith.constant 49 : i32
    %dma_wait3A = arith.constant 25088 : i32
    %dma_wait3A_27 = tpu.memref_slice %arg5[%dma_wait3A] : memref<25600xi32, #tpu.memory_space<vmem>> -> memref<128xi32, #tpu.memory_space<vmem>>
    %dma_wait3A_28 = arith.constant 0 : i32
    %dma_wait3A_29 = arith.constant 0 : i32
    %dma_wait3A_30 = tpu.memref_slice %arg3[%dma_wait3A_28, %dma_wait3A_29] : memref<1000000x64xf32, #tpu.memory_space<hbm>> -> memref<1000000x64xf32, #tpu.memory_space<hbm>>
    tpu.wait_indirect_dma semaphore(%arg14 : memref<!tpu.dma_semaphore, #tpu.memory_space<semaphore_mem>>) src(%dma_wait3A_30 : memref<1000000x64xf32, #tpu.memory_space<hbm>>) dst(%arg6 : memref<128x64xf32, #tpu.memory_space<vmem>>)
    %add3A_31 = arith.constant 24576 : i32
    %add3A_32 = arith.addi %mul3A_2, %add3A_31 : i32
    %dma_wait3A_33 = arith.constant 0 : i32
    %dma_wait3A_34 = tpu.memref_slice %arg4[%add3A_32, %dma_wait3A_33] : memref<819200x64xf32, #tpu.memory_space<hbm>> -> memref<128x64xf32, #tpu.memory_space<hbm>>
    %dma_wait3A_35 = arith.constant 0 : i32
    %dma_wait3A_36 = tpu.memref_slice %arg4[%add3A_32, %dma_wait3A_35] : memref<819200x64xf32, #tpu.memory_space<hbm>> -> memref<128x64xf32, #tpu.memory_space<hbm>>
    tpu.wait_dma2 semaphore(%arg18 : memref<!tpu.dma_semaphore, #tpu.memory_space<semaphore_mem>>) src(%arg10 : memref<128x64xf32, #tpu.memory_space<vmem>>) dst(%dma_wait3A_36 : memref<128x64xf32, #tpu.memory_space<hbm>>)
    %parallel_loop3A = arith.constant 0 : i32
    %parallel_loop3A_37 = arith.constant 128 : i32
    %parallel_loop3A_38 = arith.constant 1 : i32
    scf.for %parallel_loop3A_129 = %parallel_loop3A to %parallel_loop3A_37 step %parallel_loop3A_38  : i32 {
      %parallel_loop3A_130 = arith.index_cast %parallel_loop3A_129 : i32 to index
      %parallel_loop3A_131 = arith.constant 0 : index
      %parallel_loop3A_132 = tpu.vector_load %arg6[%parallel_loop3A_130, %parallel_loop3A_131] {strides = array<i32>} : memref<128x64xf32, #tpu.memory_space<vmem>>, vector<1x16xf32>,
      %parallel_loop3A_133 = vector.shape_cast %parallel_loop3A_132 : vector<1x16xf32> to vector<16xf32>
      %parallel_loop3A_134 = arith.constant 8.000000e+00 : f32
      %parallel_loop3A_135 = vector.broadcast %parallel_loop3A_134 : f32 to vector<16xf32>
      %parallel_loop3A_136 = arith.mulf %parallel_loop3A_133, %parallel_loop3A_135 : vector<16xf32>
      %parallel_loop3A_137 = arith.index_cast %parallel_loop3A_129 : i32 to index
      %parallel_loop3A_138 = arith.constant 0 : index
      %parallel_loop3A_139 = tpu.vector_load %arg10[%parallel_loop3A_137, %parallel_loop3A_138] {strides = array<i32>} : memref<128x64xf32, #tpu.memory_space<vmem>>, vector<1x16xf32>,
      %parallel_loop3A_140 = vector.shape_cast %parallel_loop3A_139 : vector<1x16xf32> to vector<16xf32>
      %parallel_loop3A_141 = vector.shape_cast %parallel_loop3A_136 : vector<16xf32> to vector<1x16xf32>
      tpu.vector_store %arg10[%parallel_loop3A_137, %parallel_loop3A_138], %parallel_loop3A_141 {strides = array<i32>} : memref<128x64xf32, #tpu.memory_space<vmem>>, vector<1x16xf32>,
      %parallel_loop3A_142 = arith.index_cast %parallel_loop3A_129 : i32 to index
      %parallel_loop3A_143 = arith.constant 16 : index
      %parallel_loop3A_144 = tpu.vector_load %arg6[%parallel_loop3A_142, %parallel_loop3A_143] {strides = array<i32>} : memref<128x64xf32, #tpu.memory_space<vmem>>, vector<1x16xf32>,
      %parallel_loop3A_145 = vector.shape_cast %parallel_loop3A_144 : vector<1x16xf32> to vector<16xf32>
      %parallel_loop3A_146 = arith.constant 8.000000e+00 : f32
      %parallel_loop3A_147 = vector.broadcast %parallel_loop3A_146 : f32 to vector<16xf32>
      %parallel_loop3A_148 = arith.mulf %parallel_loop3A_145, %parallel_loop3A_147 : vector<16xf32>
      %parallel_loop3A_149 = arith.index_cast %parallel_loop3A_129 : i32 to index
      %parallel_loop3A_150 = arith.constant 16 : index
      %parallel_loop3A_151 = tpu.vector_load %arg10[%parallel_loop3A_149, %parallel_loop3A_150] {strides = array<i32>} : memref<128x64xf32, #tpu.memory_space<vmem>>, vector<1x16xf32>,
      %parallel_loop3A_152 = vector.shape_cast %parallel_loop3A_151 : vector<1x16xf32> to vector<16xf32>
      %parallel_loop3A_153 = vector.shape_cast %parallel_loop3A_148 : vector<16xf32> to vector<1x16xf32>
      tpu.vector_store %arg10[%parallel_loop3A_149, %parallel_loop3A_150], %parallel_loop3A_153 {strides = array<i32>} : memref<128x64xf32, #tpu.memory_space<vmem>>, vector<1x16xf32>,
      %parallel_loop3A_154 = arith.index_cast %parallel_loop3A_129 : i32 to index
      %parallel_loop3A_155 = arith.constant 32 : index
      %parallel_loop3A_156 = tpu.vector_load %arg6[%parallel_loop3A_154, %parallel_loop3A_155] {strides = array<i32>} : memref<128x64xf32, #tpu.memory_space<vmem>>, vector<1x16xf32>,
      %parallel_loop3A_157 = vector.shape_cast %parallel_loop3A_156 : vector<1x16xf32> to vector<16xf32>
      %parallel_loop3A_158 = arith.constant 8.000000e+00 : f32
      %parallel_loop3A_159 = vector.broadcast %parallel_loop3A_158 : f32 to vector<16xf32>
      %parallel_loop3A_160 = arith.mulf %parallel_loop3A_157, %parallel_loop3A_159 : vector<16xf32>
      %parallel_loop3A_161 = arith.index_cast %parallel_loop3A_129 : i32 to index
      %parallel_loop3A_162 = arith.constant 32 : index
      %parallel_loop3A_163 = tpu.vector_load %arg10[%parallel_loop3A_161, %parallel_loop3A_162] {strides = array<i32>} : memref<128x64xf32, #tpu.memory_space<vmem>>, vector<1x16xf32>,
      %parallel_loop3A_164 = vector.shape_cast %parallel_loop3A_163 : vector<1x16xf32> to vector<16xf32>
      %parallel_loop3A_165 = vector.shape_cast %parallel_loop3A_160 : vector<16xf32> to vector<1x16xf32>
      tpu.vector_store %arg10[%parallel_loop3A_161, %parallel_loop3A_162], %parallel_loop3A_165 {strides = array<i32>} : memref<128x64xf32, #tpu.memory_space<vmem>>, vector<1x16xf32>,
      %parallel_loop3A_166 = arith.index_cast %parallel_loop3A_129 : i32 to index
      %parallel_loop3A_167 = arith.constant 48 : index
      %parallel_loop3A_168 = tpu.vector_load %arg6[%parallel_loop3A_166, %parallel_loop3A_167] {strides = array<i32>} : memref<128x64xf32, #tpu.memory_space<vmem>>, vector<1x16xf32>,
      %parallel_loop3A_169 = vector.shape_cast %parallel_loop3A_168 : vector<1x16xf32> to vector<16xf32>
      %parallel_loop3A_170 = arith.constant 8.000000e+00 : f32
      %parallel_loop3A_171 = vector.broadcast %parallel_loop3A_170 : f32 to vector<16xf32>
      %parallel_loop3A_172 = arith.mulf %parallel_loop3A_169, %parallel_loop3A_171 : vector<16xf32>
      %parallel_loop3A_173 = arith.index_cast %parallel_loop3A_129 : i32 to index
      %parallel_loop3A_174 = arith.constant 48 : index
      %parallel_loop3A_175 = tpu.vector_load %arg10[%parallel_loop3A_173, %parallel_loop3A_174] {strides = array<i32>} : memref<128x64xf32, #tpu.memory_space<vmem>>, vector<1x16xf32>,
      %parallel_loop3A_176 = vector.shape_cast %parallel_loop3A_175 : vector<1x16xf32> to vector<16xf32>
      %parallel_loop3A_177 = vector.shape_cast %parallel_loop3A_172 : vector<16xf32> to vector<1x16xf32>
      tpu.vector_store %arg10[%parallel_loop3A_173, %parallel_loop3A_174], %parallel_loop3A_177 {strides = array<i32>} : memref<128x64xf32, #tpu.memory_space<vmem>>, vector<1x16xf32>,
    } {sc.loop_unroll_factor = 8 : i64, sc.parallel_access}
    %add3A_39 = arith.constant 25088 : i32
    %add3A_40 = arith.addi %mul3A_2, %add3A_39 : i32
    %dma_start3A_41 = arith.constant 0 : i32
    %dma_start3A_42 = tpu.memref_slice %arg4[%add3A_40, %dma_start3A_41] : memref<819200x64xf32, #tpu.memory_space<hbm>> -> memref<128x64xf32, #tpu.memory_space<hbm>>
    %dma_start3A_43 = arith.constant 0 : i32
    %dma_start3A_44 = tpu.memref_slice %arg4[%add3A_40, %dma_start3A_43] : memref<819200x64xf32, #tpu.memory_space<hbm>> -> memref<128x64xf32, #tpu.memory_space<hbm>>
    tpu.enqueue_dma source(%arg10 : memref<128x64xf32, #tpu.memory_space<vmem>>) target(%dma_start3A_44 : memref<128x64xf32, #tpu.memory_space<hbm>>) target_semaphore(%arg18 : memref<!tpu.dma_semaphore, #tpu.memory_space<semaphore_mem>>)
    %dma_wait3A_45 = arith.constant 25216 : i32
    %dma_wait3A_46 = tpu.memref_slice %arg5[%dma_wait3A_45] : memref<25600xi32, #tpu.memory_space<vmem>> -> memref<128xi32, #tpu.memory_space<vmem>>
    %dma_wait3A_47 = arith.constant 0 : i32
    %dma_wait3A_48 = arith.constant 0 : i32
    %dma_wait3A_49 = tpu.memref_slice %arg3[%dma_wait3A_47, %dma_wait3A_48] : memref<1000000x64xf32, #tpu.memory_space<hbm>> -> memref<1000000x64xf32, #tpu.memory_space<hbm>>
    tpu.wait_indirect_dma semaphore(%arg15 : memref<!tpu.dma_semaphore, #tpu.memory_space<semaphore_mem>>) src(%dma_wait3A_49 : memref<1000000x64xf32, #tpu.memory_space<hbm>>) dst(%arg7 : memref<128x64xf32, #tpu.memory_space<vmem>>)
    %add3A_50 = arith.constant 24704 : i32
    %add3A_51 = arith.addi %mul3A_2, %add3A_50 : i32
    %dma_wait3A_52 = arith.constant 0 : i32
    %dma_wait3A_53 = tpu.memref_slice %arg4[%add3A_51, %dma_wait3A_52] : memref<819200x64xf32, #tpu.memory_space<hbm>> -> memref<128x64xf32, #tpu.memory_space<hbm>>
    %dma_wait3A_54 = arith.constant 0 : i32
    %dma_wait3A_55 = tpu.memref_slice %arg4[%add3A_51, %dma_wait3A_54] : memref<819200x64xf32, #tpu.memory_space<hbm>> -> memref<128x64xf32, #tpu.memory_space<hbm>>
    tpu.wait_dma2 semaphore(%arg19 : memref<!tpu.dma_semaphore, #tpu.memory_space<semaphore_mem>>) src(%arg11 : memref<128x64xf32, #tpu.memory_space<vmem>>) dst(%dma_wait3A_55 : memref<128x64xf32, #tpu.memory_space<hbm>>)
    %parallel_loop3A_56 = arith.constant 0 : i32
    %parallel_loop3A_57 = arith.constant 128 : i32
    %parallel_loop3A_58 = arith.constant 1 : i32
    scf.for %parallel_loop3A_129 = %parallel_loop3A_56 to %parallel_loop3A_57 step %parallel_loop3A_58  : i32 {
      %parallel_loop3A_130 = arith.index_cast %parallel_loop3A_129 : i32 to index
      %parallel_loop3A_131 = arith.constant 0 : index
      %parallel_loop3A_132 = tpu.vector_load %arg7[%parallel_loop3A_130, %parallel_loop3A_131] {strides = array<i32>} : memref<128x64xf32, #tpu.memory_space<vmem>>, vector<1x16xf32>,
      %parallel_loop3A_133 = vector.shape_cast %parallel_loop3A_132 : vector<1x16xf32> to vector<16xf32>
      %parallel_loop3A_134 = arith.constant 8.000000e+00 : f32
      %parallel_loop3A_135 = vector.broadcast %parallel_loop3A_134 : f32 to vector<16xf32>
      %parallel_loop3A_136 = arith.mulf %parallel_loop3A_133, %parallel_loop3A_135 : vector<16xf32>
      %parallel_loop3A_137 = arith.index_cast %parallel_loop3A_129 : i32 to index
      %parallel_loop3A_138 = arith.constant 0 : index
      %parallel_loop3A_139 = tpu.vector_load %arg11[%parallel_loop3A_137, %parallel_loop3A_138] {strides = array<i32>} : memref<128x64xf32, #tpu.memory_space<vmem>>, vector<1x16xf32>,
      %parallel_loop3A_140 = vector.shape_cast %parallel_loop3A_139 : vector<1x16xf32> to vector<16xf32>
      %parallel_loop3A_141 = vector.shape_cast %parallel_loop3A_136 : vector<16xf32> to vector<1x16xf32>
      tpu.vector_store %arg11[%parallel_loop3A_137, %parallel_loop3A_138], %parallel_loop3A_141 {strides = array<i32>} : memref<128x64xf32, #tpu.memory_space<vmem>>, vector<1x16xf32>,
      %parallel_loop3A_142 = arith.index_cast %parallel_loop3A_129 : i32 to index
      %parallel_loop3A_143 = arith.constant 16 : index
      %parallel_loop3A_144 = tpu.vector_load %arg7[%parallel_loop3A_142, %parallel_loop3A_143] {strides = array<i32>} : memref<128x64xf32, #tpu.memory_space<vmem>>, vector<1x16xf32>,
      %parallel_loop3A_145 = vector.shape_cast %parallel_loop3A_144 : vector<1x16xf32> to vector<16xf32>
      %parallel_loop3A_146 = arith.constant 8.000000e+00 : f32
      %parallel_loop3A_147 = vector.broadcast %parallel_loop3A_146 : f32 to vector<16xf32>
      %parallel_loop3A_148 = arith.mulf %parallel_loop3A_145, %parallel_loop3A_147 : vector<16xf32>
      %parallel_loop3A_149 = arith.index_cast %parallel_loop3A_129 : i32 to index
      %parallel_loop3A_150 = arith.constant 16 : index
      %parallel_loop3A_151 = tpu.vector_load %arg11[%parallel_loop3A_149, %parallel_loop3A_150] {strides = array<i32>} : memref<128x64xf32, #tpu.memory_space<vmem>>, vector<1x16xf32>,
      %parallel_loop3A_152 = vector.shape_cast %parallel_loop3A_151 : vector<1x16xf32> to vector<16xf32>
      %parallel_loop3A_153 = vector.shape_cast %parallel_loop3A_148 : vector<16xf32> to vector<1x16xf32>
      tpu.vector_store %arg11[%parallel_loop3A_149, %parallel_loop3A_150], %parallel_loop3A_153 {strides = array<i32>} : memref<128x64xf32, #tpu.memory_space<vmem>>, vector<1x16xf32>,
      %parallel_loop3A_154 = arith.index_cast %parallel_loop3A_129 : i32 to index
      %parallel_loop3A_155 = arith.constant 32 : index
      %parallel_loop3A_156 = tpu.vector_load %arg7[%parallel_loop3A_154, %parallel_loop3A_155] {strides = array<i32>} : memref<128x64xf32, #tpu.memory_space<vmem>>, vector<1x16xf32>,
      %parallel_loop3A_157 = vector.shape_cast %parallel_loop3A_156 : vector<1x16xf32> to vector<16xf32>
      %parallel_loop3A_158 = arith.constant 8.000000e+00 : f32
      %parallel_loop3A_159 = vector.broadcast %parallel_loop3A_158 : f32 to vector<16xf32>
      %parallel_loop3A_160 = arith.mulf %parallel_loop3A_157, %parallel_loop3A_159 : vector<16xf32>
      %parallel_loop3A_161 = arith.index_cast %parallel_loop3A_129 : i32 to index
      %parallel_loop3A_162 = arith.constant 32 : index
      %parallel_loop3A_163 = tpu.vector_load %arg11[%parallel_loop3A_161, %parallel_loop3A_162] {strides = array<i32>} : memref<128x64xf32, #tpu.memory_space<vmem>>, vector<1x16xf32>,
      %parallel_loop3A_164 = vector.shape_cast %parallel_loop3A_163 : vector<1x16xf32> to vector<16xf32>
      %parallel_loop3A_165 = vector.shape_cast %parallel_loop3A_160 : vector<16xf32> to vector<1x16xf32>
      tpu.vector_store %arg11[%parallel_loop3A_161, %parallel_loop3A_162], %parallel_loop3A_165 {strides = array<i32>} : memref<128x64xf32, #tpu.memory_space<vmem>>, vector<1x16xf32>,
      %parallel_loop3A_166 = arith.index_cast %parallel_loop3A_129 : i32 to index
      %parallel_loop3A_167 = arith.constant 48 : index
      %parallel_loop3A_168 = tpu.vector_load %arg7[%parallel_loop3A_166, %parallel_loop3A_167] {strides = array<i32>} : memref<128x64xf32, #tpu.memory_space<vmem>>, vector<1x16xf32>,
      %parallel_loop3A_169 = vector.shape_cast %parallel_loop3A_168 : vector<1x16xf32> to vector<16xf32>
      %parallel_loop3A_170 = arith.constant 8.000000e+00 : f32
      %parallel_loop3A_171 = vector.broadcast %parallel_loop3A_170 : f32 to vector<16xf32>
      %parallel_loop3A_172 = arith.mulf %parallel_loop3A_169, %parallel_loop3A_171 : vector<16xf32>
      %parallel_loop3A_173 = arith.index_cast %parallel_loop3A_129 : i32 to index
      %parallel_loop3A_174 = arith.constant 48 : index
      %parallel_loop3A_175 = tpu.vector_load %arg11[%parallel_loop3A_173, %parallel_loop3A_174] {strides = array<i32>} : memref<128x64xf32, #tpu.memory_space<vmem>>, vector<1x16xf32>,
      %parallel_loop3A_176 = vector.shape_cast %parallel_loop3A_175 : vector<1x16xf32> to vector<16xf32>
      %parallel_loop3A_177 = vector.shape_cast %parallel_loop3A_172 : vector<16xf32> to vector<1x16xf32>
      tpu.vector_store %arg11[%parallel_loop3A_173, %parallel_loop3A_174], %parallel_loop3A_177 {strides = array<i32>} : memref<128x64xf32, #tpu.memory_space<vmem>>, vector<1x16xf32>,
    } {sc.loop_unroll_factor = 8 : i64, sc.parallel_access}
    %add3A_59 = arith.constant 25216 : i32
    %add3A_60 = arith.addi %mul3A_2, %add3A_59 : i32
    %dma_start3A_61 = arith.constant 0 : i32
    %dma_start3A_62 = tpu.memref_slice %arg4[%add3A_60, %dma_start3A_61] : memref<819200x64xf32, #tpu.memory_space<hbm>> -> memref<128x64xf32, #tpu.memory_space<hbm>>
    %dma_start3A_63 = arith.constant 0 : i32
    %dma_start3A_64 = tpu.memref_slice %arg4[%add3A_60, %dma_start3A_63] : memref<819200x64xf32, #tpu.memory_space<hbm>> -> memref<128x64xf32, #tpu.memory_space<hbm>>
    tpu.enqueue_dma source(%arg11 : memref<128x64xf32, #tpu.memory_space<vmem>>) target(%dma_start3A_64 : memref<128x64xf32, #tpu.memory_space<hbm>>) target_semaphore(%arg19 : memref<!tpu.dma_semaphore, #tpu.memory_space<semaphore_mem>>)
    %dma_wait3A_65 = arith.constant 25344 : i32
    %dma_wait3A_66 = tpu.memref_slice %arg5[%dma_wait3A_65] : memref<25600xi32, #tpu.memory_space<vmem>> -> memref<128xi32, #tpu.memory_space<vmem>>
    %dma_wait3A_67 = arith.constant 0 : i32
    %dma_wait3A_68 = arith.constant 0 : i32
    %dma_wait3A_69 = tpu.memref_slice %arg3[%dma_wait3A_67, %dma_wait3A_68] : memref<1000000x64xf32, #tpu.memory_space<hbm>> -> memref<1000000x64xf32, #tpu.memory_space<hbm>>
    tpu.wait_indirect_dma semaphore(%arg16 : memref<!tpu.dma_semaphore, #tpu.memory_space<semaphore_mem>>) src(%dma_wait3A_69 : memref<1000000x64xf32, #tpu.memory_space<hbm>>) dst(%arg8 : memref<128x64xf32, #tpu.memory_space<vmem>>)
    %add3A_70 = arith.constant 24832 : i32
    %add3A_71 = arith.addi %mul3A_2, %add3A_70 : i32
    %dma_wait3A_72 = arith.constant 0 : i32
    %dma_wait3A_73 = tpu.memref_slice %arg4[%add3A_71, %dma_wait3A_72] : memref<819200x64xf32, #tpu.memory_space<hbm>> -> memref<128x64xf32, #tpu.memory_space<hbm>>
    %dma_wait3A_74 = arith.constant 0 : i32
    %dma_wait3A_75 = tpu.memref_slice %arg4[%add3A_71, %dma_wait3A_74] : memref<819200x64xf32, #tpu.memory_space<hbm>> -> memref<128x64xf32, #tpu.memory_space<hbm>>
    tpu.wait_dma2 semaphore(%arg20 : memref<!tpu.dma_semaphore, #tpu.memory_space<semaphore_mem>>) src(%arg12 : memref<128x64xf32, #tpu.memory_space<vmem>>) dst(%dma_wait3A_75 : memref<128x64xf32, #tpu.memory_space<hbm>>)
    %parallel_loop3A_76 = arith.constant 0 : i32
    %parallel_loop3A_77 = arith.constant 128 : i32
    %parallel_loop3A_78 = arith.constant 1 : i32
    scf.for %parallel_loop3A_129 = %parallel_loop3A_76 to %parallel_loop3A_77 step %parallel_loop3A_78  : i32 {
      %parallel_loop3A_130 = arith.index_cast %parallel_loop3A_129 : i32 to index
      %parallel_loop3A_131 = arith.constant 0 : index
      %parallel_loop3A_132 = tpu.vector_load %arg8[%parallel_loop3A_130, %parallel_loop3A_131] {strides = array<i32>} : memref<128x64xf32, #tpu.memory_space<vmem>>, vector<1x16xf32>,
      %parallel_loop3A_133 = vector.shape_cast %parallel_loop3A_132 : vector<1x16xf32> to vector<16xf32>
      %parallel_loop3A_134 = arith.constant 8.000000e+00 : f32
      %parallel_loop3A_135 = vector.broadcast %parallel_loop3A_134 : f32 to vector<16xf32>
      %parallel_loop3A_136 = arith.mulf %parallel_loop3A_133, %parallel_loop3A_135 : vector<16xf32>
      %parallel_loop3A_137 = arith.index_cast %parallel_loop3A_129 : i32 to index
      %parallel_loop3A_138 = arith.constant 0 : index
      %parallel_loop3A_139 = tpu.vector_load %arg12[%parallel_loop3A_137, %parallel_loop3A_138] {strides = array<i32>} : memref<128x64xf32, #tpu.memory_space<vmem>>, vector<1x16xf32>,
      %parallel_loop3A_140 = vector.shape_cast %parallel_loop3A_139 : vector<1x16xf32> to vector<16xf32>
      %parallel_loop3A_141 = vector.shape_cast %parallel_loop3A_136 : vector<16xf32> to vector<1x16xf32>
      tpu.vector_store %arg12[%parallel_loop3A_137, %parallel_loop3A_138], %parallel_loop3A_141 {strides = array<i32>} : memref<128x64xf32, #tpu.memory_space<vmem>>, vector<1x16xf32>,
      %parallel_loop3A_142 = arith.index_cast %parallel_loop3A_129 : i32 to index
      %parallel_loop3A_143 = arith.constant 16 : index
      %parallel_loop3A_144 = tpu.vector_load %arg8[%parallel_loop3A_142, %parallel_loop3A_143] {strides = array<i32>} : memref<128x64xf32, #tpu.memory_space<vmem>>, vector<1x16xf32>,
      %parallel_loop3A_145 = vector.shape_cast %parallel_loop3A_144 : vector<1x16xf32> to vector<16xf32>
      %parallel_loop3A_146 = arith.constant 8.000000e+00 : f32
      %parallel_loop3A_147 = vector.broadcast %parallel_loop3A_146 : f32 to vector<16xf32>
      %parallel_loop3A_148 = arith.mulf %parallel_loop3A_145, %parallel_loop3A_147 : vector<16xf32>
      %parallel_loop3A_149 = arith.index_cast %parallel_loop3A_129 : i32 to index
      %parallel_loop3A_150 = arith.constant 16 : index
      %parallel_loop3A_151 = tpu.vector_load %arg12[%parallel_loop3A_149, %parallel_loop3A_150] {strides = array<i32>} : memref<128x64xf32, #tpu.memory_space<vmem>>, vector<1x16xf32>,
      %parallel_loop3A_152 = vector.shape_cast %parallel_loop3A_151 : vector<1x16xf32> to vector<16xf32>
      %parallel_loop3A_153 = vector.shape_cast %parallel_loop3A_148 : vector<16xf32> to vector<1x16xf32>
      tpu.vector_store %arg12[%parallel_loop3A_149, %parallel_loop3A_150], %parallel_loop3A_153 {strides = array<i32>} : memref<128x64xf32, #tpu.memory_space<vmem>>, vector<1x16xf32>,
      %parallel_loop3A_154 = arith.index_cast %parallel_loop3A_129 : i32 to index
      %parallel_loop3A_155 = arith.constant 32 : index
      %parallel_loop3A_156 = tpu.vector_load %arg8[%parallel_loop3A_154, %parallel_loop3A_155] {strides = array<i32>} : memref<128x64xf32, #tpu.memory_space<vmem>>, vector<1x16xf32>,
      %parallel_loop3A_157 = vector.shape_cast %parallel_loop3A_156 : vector<1x16xf32> to vector<16xf32>
      %parallel_loop3A_158 = arith.constant 8.000000e+00 : f32
      %parallel_loop3A_159 = vector.broadcast %parallel_loop3A_158 : f32 to vector<16xf32>
      %parallel_loop3A_160 = arith.mulf %parallel_loop3A_157, %parallel_loop3A_159 : vector<16xf32>
      %parallel_loop3A_161 = arith.index_cast %parallel_loop3A_129 : i32 to index
      %parallel_loop3A_162 = arith.constant 32 : index
      %parallel_loop3A_163 = tpu.vector_load %arg12[%parallel_loop3A_161, %parallel_loop3A_162] {strides = array<i32>} : memref<128x64xf32, #tpu.memory_space<vmem>>, vector<1x16xf32>,
      %parallel_loop3A_164 = vector.shape_cast %parallel_loop3A_163 : vector<1x16xf32> to vector<16xf32>
      %parallel_loop3A_165 = vector.shape_cast %parallel_loop3A_160 : vector<16xf32> to vector<1x16xf32>
      tpu.vector_store %arg12[%parallel_loop3A_161, %parallel_loop3A_162], %parallel_loop3A_165 {strides = array<i32>} : memref<128x64xf32, #tpu.memory_space<vmem>>, vector<1x16xf32>,
      %parallel_loop3A_166 = arith.index_cast %parallel_loop3A_129 : i32 to index
      %parallel_loop3A_167 = arith.constant 48 : index
      %parallel_loop3A_168 = tpu.vector_load %arg8[%parallel_loop3A_166, %parallel_loop3A_167] {strides = array<i32>} : memref<128x64xf32, #tpu.memory_space<vmem>>, vector<1x16xf32>,
      %parallel_loop3A_169 = vector.shape_cast %parallel_loop3A_168 : vector<1x16xf32> to vector<16xf32>
      %parallel_loop3A_170 = arith.constant 8.000000e+00 : f32
      %parallel_loop3A_171 = vector.broadcast %parallel_loop3A_170 : f32 to vector<16xf32>
      %parallel_loop3A_172 = arith.mulf %parallel_loop3A_169, %parallel_loop3A_171 : vector<16xf32>
      %parallel_loop3A_173 = arith.index_cast %parallel_loop3A_129 : i32 to index
      %parallel_loop3A_174 = arith.constant 48 : index
      %parallel_loop3A_175 = tpu.vector_load %arg12[%parallel_loop3A_173, %parallel_loop3A_174] {strides = array<i32>} : memref<128x64xf32, #tpu.memory_space<vmem>>, vector<1x16xf32>,
      %parallel_loop3A_176 = vector.shape_cast %parallel_loop3A_175 : vector<1x16xf32> to vector<16xf32>
      %parallel_loop3A_177 = vector.shape_cast %parallel_loop3A_172 : vector<16xf32> to vector<1x16xf32>
      tpu.vector_store %arg12[%parallel_loop3A_173, %parallel_loop3A_174], %parallel_loop3A_177 {strides = array<i32>} : memref<128x64xf32, #tpu.memory_space<vmem>>, vector<1x16xf32>,
    } {sc.loop_unroll_factor = 8 : i64, sc.parallel_access}
    %add3A_79 = arith.constant 25344 : i32
    %add3A_80 = arith.addi %mul3A_2, %add3A_79 : i32
    %dma_start3A_81 = arith.constant 0 : i32
    %dma_start3A_82 = tpu.memref_slice %arg4[%add3A_80, %dma_start3A_81] : memref<819200x64xf32, #tpu.memory_space<hbm>> -> memref<128x64xf32, #tpu.memory_space<hbm>>
    %dma_start3A_83 = arith.constant 0 : i32
    %dma_start3A_84 = tpu.memref_slice %arg4[%add3A_80, %dma_start3A_83] : memref<819200x64xf32, #tpu.memory_space<hbm>> -> memref<128x64xf32, #tpu.memory_space<hbm>>
    tpu.enqueue_dma source(%arg12 : memref<128x64xf32, #tpu.memory_space<vmem>>) target(%dma_start3A_84 : memref<128x64xf32, #tpu.memory_space<hbm>>) target_semaphore(%arg20 : memref<!tpu.dma_semaphore, #tpu.memory_space<semaphore_mem>>)
    %dma_wait3A_85 = arith.constant 25472 : i32
    %dma_wait3A_86 = tpu.memref_slice %arg5[%dma_wait3A_85] : memref<25600xi32, #tpu.memory_space<vmem>> -> memref<128xi32, #tpu.memory_space<vmem>>
    %dma_wait3A_87 = arith.constant 0 : i32
    %dma_wait3A_88 = arith.constant 0 : i32
    %dma_wait3A_89 = tpu.memref_slice %arg3[%dma_wait3A_87, %dma_wait3A_88] : memref<1000000x64xf32, #tpu.memory_space<hbm>> -> memref<1000000x64xf32, #tpu.memory_space<hbm>>
    tpu.wait_indirect_dma semaphore(%arg17 : memref<!tpu.dma_semaphore, #tpu.memory_space<semaphore_mem>>) src(%dma_wait3A_89 : memref<1000000x64xf32, #tpu.memory_space<hbm>>) dst(%arg9 : memref<128x64xf32, #tpu.memory_space<vmem>>)
    %add3A_90 = arith.constant 24960 : i32
    %add3A_91 = arith.addi %mul3A_2, %add3A_90 : i32
    %dma_wait3A_92 = arith.constant 0 : i32
    %dma_wait3A_93 = tpu.memref_slice %arg4[%add3A_91, %dma_wait3A_92] : memref<819200x64xf32, #tpu.memory_space<hbm>> -> memref<128x64xf32, #tpu.memory_space<hbm>>
    %dma_wait3A_94 = arith.constant 0 : i32
    %dma_wait3A_95 = tpu.memref_slice %arg4[%add3A_91, %dma_wait3A_94] : memref<819200x64xf32, #tpu.memory_space<hbm>> -> memref<128x64xf32, #tpu.memory_space<hbm>>
    tpu.wait_dma2 semaphore(%arg21 : memref<!tpu.dma_semaphore, #tpu.memory_space<semaphore_mem>>) src(%arg13 : memref<128x64xf32, #tpu.memory_space<vmem>>) dst(%dma_wait3A_95 : memref<128x64xf32, #tpu.memory_space<hbm>>)
    %parallel_loop3A_96 = arith.constant 0 : i32
    %parallel_loop3A_97 = arith.constant 128 : i32
    %parallel_loop3A_98 = arith.constant 1 : i32
    scf.for %parallel_loop3A_129 = %parallel_loop3A_96 to %parallel_loop3A_97 step %parallel_loop3A_98  : i32 {
      %parallel_loop3A_130 = arith.index_cast %parallel_loop3A_129 : i32 to index
      %parallel_loop3A_131 = arith.constant 0 : index
      %parallel_loop3A_132 = tpu.vector_load %arg9[%parallel_loop3A_130, %parallel_loop3A_131] {strides = array<i32>} : memref<128x64xf32, #tpu.memory_space<vmem>>, vector<1x16xf32>,
      %parallel_loop3A_133 = vector.shape_cast %parallel_loop3A_132 : vector<1x16xf32> to vector<16xf32>
      %parallel_loop3A_134 = arith.constant 8.000000e+00 : f32
      %parallel_loop3A_135 = vector.broadcast %parallel_loop3A_134 : f32 to vector<16xf32>
      %parallel_loop3A_136 = arith.mulf %parallel_loop3A_133, %parallel_loop3A_135 : vector<16xf32>
      %parallel_loop3A_137 = arith.index_cast %parallel_loop3A_129 : i32 to index
      %parallel_loop3A_138 = arith.constant 0 : index
      %parallel_loop3A_139 = tpu.vector_load %arg13[%parallel_loop3A_137, %parallel_loop3A_138] {strides = array<i32>} : memref<128x64xf32, #tpu.memory_space<vmem>>, vector<1x16xf32>,
      %parallel_loop3A_140 = vector.shape_cast %parallel_loop3A_139 : vector<1x16xf32> to vector<16xf32>
      %parallel_loop3A_141 = vector.shape_cast %parallel_loop3A_136 : vector<16xf32> to vector<1x16xf32>
      tpu.vector_store %arg13[%parallel_loop3A_137, %parallel_loop3A_138], %parallel_loop3A_141 {strides = array<i32>} : memref<128x64xf32, #tpu.memory_space<vmem>>, vector<1x16xf32>,
      %parallel_loop3A_142 = arith.index_cast %parallel_loop3A_129 : i32 to index
      %parallel_loop3A_143 = arith.constant 16 : index
      %parallel_loop3A_144 = tpu.vector_load %arg9[%parallel_loop3A_142, %parallel_loop3A_143] {strides = array<i32>} : memref<128x64xf32, #tpu.memory_space<vmem>>, vector<1x16xf32>,
      %parallel_loop3A_145 = vector.shape_cast %parallel_loop3A_144 : vector<1x16xf32> to vector<16xf32>
      %parallel_loop3A_146 = arith.constant 8.000000e+00 : f32
      %parallel_loop3A_147 = vector.broadcast %parallel_loop3A_146 : f32 to vector<16xf32>
      %parallel_loop3A_148 = arith.mulf %parallel_loop3A_145, %parallel_loop3A_147 : vector<16xf32>
      %parallel_loop3A_149 = arith.index_cast %parallel_loop3A_129 : i32 to index
      %parallel_loop3A_150 = arith.constant 16 : index
      %parallel_loop3A_151 = tpu.vector_load %arg13[%parallel_loop3A_149, %parallel_loop3A_150] {strides = array<i32>} : memref<128x64xf32, #tpu.memory_space<vmem>>, vector<1x16xf32>,
      %parallel_loop3A_152 = vector.shape_cast %parallel_loop3A_151 : vector<1x16xf32> to vector<16xf32>
      %parallel_loop3A_153 = vector.shape_cast %parallel_loop3A_148 : vector<16xf32> to vector<1x16xf32>
      tpu.vector_store %arg13[%parallel_loop3A_149, %parallel_loop3A_150], %parallel_loop3A_153 {strides = array<i32>} : memref<128x64xf32, #tpu.memory_space<vmem>>, vector<1x16xf32>,
      %parallel_loop3A_154 = arith.index_cast %parallel_loop3A_129 : i32 to index
      %parallel_loop3A_155 = arith.constant 32 : index
      %parallel_loop3A_156 = tpu.vector_load %arg9[%parallel_loop3A_154, %parallel_loop3A_155] {strides = array<i32>} : memref<128x64xf32, #tpu.memory_space<vmem>>, vector<1x16xf32>,
      %parallel_loop3A_157 = vector.shape_cast %parallel_loop3A_156 : vector<1x16xf32> to vector<16xf32>
      %parallel_loop3A_158 = arith.constant 8.000000e+00 : f32
      %parallel_loop3A_159 = vector.broadcast %parallel_loop3A_158 : f32 to vector<16xf32>
      %parallel_loop3A_160 = arith.mulf %parallel_loop3A_157, %parallel_loop3A_159 : vector<16xf32>
      %parallel_loop3A_161 = arith.index_cast %parallel_loop3A_129 : i32 to index
      %parallel_loop3A_162 = arith.constant 32 : index
      %parallel_loop3A_163 = tpu.vector_load %arg13[%parallel_loop3A_161, %parallel_loop3A_162] {strides = array<i32>} : memref<128x64xf32, #tpu.memory_space<vmem>>, vector<1x16xf32>,
      %parallel_loop3A_164 = vector.shape_cast %parallel_loop3A_163 : vector<1x16xf32> to vector<16xf32>
      %parallel_loop3A_165 = vector.shape_cast %parallel_loop3A_160 : vector<16xf32> to vector<1x16xf32>
      tpu.vector_store %arg13[%parallel_loop3A_161, %parallel_loop3A_162], %parallel_loop3A_165 {strides = array<i32>} : memref<128x64xf32, #tpu.memory_space<vmem>>, vector<1x16xf32>,
      %parallel_loop3A_166 = arith.index_cast %parallel_loop3A_129 : i32 to index
      %parallel_loop3A_167 = arith.constant 48 : index
      %parallel_loop3A_168 = tpu.vector_load %arg9[%parallel_loop3A_166, %parallel_loop3A_167] {strides = array<i32>} : memref<128x64xf32, #tpu.memory_space<vmem>>, vector<1x16xf32>,
      %parallel_loop3A_169 = vector.shape_cast %parallel_loop3A_168 : vector<1x16xf32> to vector<16xf32>
      %parallel_loop3A_170 = arith.constant 8.000000e+00 : f32
      %parallel_loop3A_171 = vector.broadcast %parallel_loop3A_170 : f32 to vector<16xf32>
      %parallel_loop3A_172 = arith.mulf %parallel_loop3A_169, %parallel_loop3A_171 : vector<16xf32>
      %parallel_loop3A_173 = arith.index_cast %parallel_loop3A_129 : i32 to index
      %parallel_loop3A_174 = arith.constant 48 : index
      %parallel_loop3A_175 = tpu.vector_load %arg13[%parallel_loop3A_173, %parallel_loop3A_174] {strides = array<i32>} : memref<128x64xf32, #tpu.memory_space<vmem>>, vector<1x16xf32>,
      %parallel_loop3A_176 = vector.shape_cast %parallel_loop3A_175 : vector<1x16xf32> to vector<16xf32>
      %parallel_loop3A_177 = vector.shape_cast %parallel_loop3A_172 : vector<16xf32> to vector<1x16xf32>
      tpu.vector_store %arg13[%parallel_loop3A_173, %parallel_loop3A_174], %parallel_loop3A_177 {strides = array<i32>} : memref<128x64xf32, #tpu.memory_space<vmem>>, vector<1x16xf32>,
    } {sc.loop_unroll_factor = 8 : i64, sc.parallel_access}
    %add3A_99 = arith.constant 25472 : i32
    %add3A_100 = arith.addi %mul3A_2, %add3A_99 : i32
    %dma_start3A_101 = arith.constant 0 : i32
    %dma_start3A_102 = tpu.memref_slice %arg4[%add3A_100, %dma_start3A_101] : memref<819200x64xf32, #tpu.memory_space<hbm>> -> memref<128x64xf32, #tpu.memory_space<hbm>>
    %dma_start3A_103 = arith.constant 0 : i32
    %dma_start3A_104 = tpu.memref_slice %arg4[%add3A_100, %dma_start3A_103] : memref<819200x64xf32, #tpu.memory_space<hbm>> -> memref<128x64xf32, #tpu.memory_space<hbm>>
    tpu.enqueue_dma source(%arg13 : memref<128x64xf32, #tpu.memory_space<vmem>>) target(%dma_start3A_104 : memref<128x64xf32, #tpu.memory_space<hbm>>) target_semaphore(%arg21 : memref<!tpu.dma_semaphore, #tpu.memory_space<semaphore_mem>>)
    %add3A_105 = arith.constant 25088 : i32
    %add3A_106 = arith.addi %mul3A_2, %add3A_105 : i32
    %dma_wait3A_107 = arith.constant 0 : i32
    %dma_wait3A_108 = tpu.memref_slice %arg4[%add3A_106, %dma_wait3A_107] : memref<819200x64xf32, #tpu.memory_space<hbm>> -> memref<128x64xf32, #tpu.memory_space<hbm>>
    %dma_wait3A_109 = arith.constant 0 : i32
    %dma_wait3A_110 = tpu.memref_slice %arg4[%add3A_106, %dma_wait3A_109] : memref<819200x64xf32, #tpu.memory_space<hbm>> -> memref<128x64xf32, #tpu.memory_space<hbm>>
    tpu.wait_dma2 semaphore(%arg18 : memref<!tpu.dma_semaphore, #tpu.memory_space<semaphore_mem>>) src(%arg10 : memref<128x64xf32, #tpu.memory_space<vmem>>) dst(%dma_wait3A_110 : memref<128x64xf32, #tpu.memory_space<hbm>>)
    %add3A_111 = arith.constant 25216 : i32
    %add3A_112 = arith.addi %mul3A_2, %add3A_111 : i32
    %dma_wait3A_113 = arith.constant 0 : i32
    %dma_wait3A_114 = tpu.memref_slice %arg4[%add3A_112, %dma_wait3A_113] : memref<819200x64xf32, #tpu.memory_space<hbm>> -> memref<128x64xf32, #tpu.memory_space<hbm>>
    %dma_wait3A_115 = arith.constant 0 : i32
    %dma_wait3A_116 = tpu.memref_slice %arg4[%add3A_112, %dma_wait3A_115] : memref<819200x64xf32, #tpu.memory_space<hbm>> -> memref<128x64xf32, #tpu.memory_space<hbm>>
    tpu.wait_dma2 semaphore(%arg19 : memref<!tpu.dma_semaphore, #tpu.memory_space<semaphore_mem>>) src(%arg11 : memref<128x64xf32, #tpu.memory_space<vmem>>) dst(%dma_wait3A_116 : memref<128x64xf32, #tpu.memory_space<hbm>>)
    %add3A_117 = arith.constant 25344 : i32
    %add3A_118 = arith.addi %mul3A_2, %add3A_117 : i32
    %dma_wait3A_119 = arith.constant 0 : i32
    %dma_wait3A_120 = tpu.memref_slice %arg4[%add3A_118, %dma_wait3A_119] : memref<819200x64xf32, #tpu.memory_space<hbm>> -> memref<128x64xf32, #tpu.memory_space<hbm>>
    %dma_wait3A_121 = arith.constant 0 : i32
    %dma_wait3A_122 = tpu.memref_slice %arg4[%add3A_118, %dma_wait3A_121] : memref<819200x64xf32, #tpu.memory_space<hbm>> -> memref<128x64xf32, #tpu.memory_space<hbm>>
    tpu.wait_dma2 semaphore(%arg20 : memref<!tpu.dma_semaphore, #tpu.memory_space<semaphore_mem>>) src(%arg12 : memref<128x64xf32, #tpu.memory_space<vmem>>) dst(%dma_wait3A_122 : memref<128x64xf32, #tpu.memory_space<hbm>>)
    %add3A_123 = arith.constant 25472 : i32
    %add3A_124 = arith.addi %mul3A_2, %add3A_123 : i32
    %dma_wait3A_125 = arith.constant 0 : i32
    %dma_wait3A_126 = tpu.memref_slice %arg4[%add3A_124, %dma_wait3A_125] : memref<819200x64xf32, #tpu.memory_space<hbm>> -> memref<128x64xf32, #tpu.memory_space<hbm>>
    %dma_wait3A_127 = arith.constant 0 : i32
    %dma_wait3A_128 = tpu.memref_slice %arg4[%add3A_124, %dma_wait3A_127] : memref<819200x64xf32, #tpu.memory_space<hbm>> -> memref<128x64xf32, #tpu.memory_space<hbm>>
    tpu.wait_dma2 semaphore(%arg21 : memref<!tpu.dma_semaphore, #tpu.memory_space<semaphore_mem>>) src(%arg13 : memref<128x64xf32, #tpu.memory_space<vmem>>) dst(%dma_wait3A_128 : memref<128x64xf32, #tpu.memory_space<hbm>>)
    return
  }
}

</mosaic_0001>

<sc_bundles>
// kernel: kernel.3.cloned.1.call-start
scs
__scs_entry_jumppad:
0x0: {  	(pc) =	sbr.rel $0x88, $3  }
0x1: {  	(tag) =	ssettag $0x0;
	lr =	simm.s32 $0x1  }
0x2: {  	[smem:$0x3F9F] =	sst lr;
	_ =	strace $0xD0000000  }
0x3: {  	_ = 	snop  }
0x4: {  	_ = 	snop  }
0x5: {  	_ = 	snop  }
0x6: {  	_ = 	snop  }
0x7: {  	_ = 	snop  }
__scs_overlays_trampoline_lowered:
0x8: {  	[smem:$0x3FAE] =	sst s0  }
0x9: {  	[smem:$0x3FAF] =	sst s1  }
0xa: {  	[smem:$0x3FB0] =	sst s2  }
0xb: {  	[smem:$0x3FB1] =	sst s3  }
0xc: {  	[smem:$0x3FB2] =	sst s4  }
0xd: {  	[smem:$0x3FB3] =	sst s5  }
0xe: {  	[smem:$0x3FB4] =	sst s6  }
0xf: {  	[smem:$0x3FB5] =	sst s7  }
0x10: {  	[smem:$0x3FB6] =	sst s8  }
0x11: {  	[smem:$0x3FB7] =	sst s9;
	s0 =	simm.s32 @!p0 $0x0  }
0x12: {  	s1 =	sld [smem:$0x3F9D];
	s0 =	simm.s32 @p0 $0x1  }
0x13: {  	[smem:$0x3FB8] =	sst s0;
	s0 =	simm.s32 @!p1 $0x0  }
0x14: {  	s2 =	sld [smem:$0x3F9C];
	s0 =	simm.s32 @p1 $0x1  }
0x15: {  	[smem:$0x3FB9] =	sst s0;
	s0 =	simm.s32 @!p2 $0x0  }
0x16: {  	s3 =	sld [smem:$0x3FDB];
	s0 =	simm.s32 @p2 $0x1  }
0x17: {  	s4 =	simm.s32 $0x1BF5;
	[smem:$0x3FBB] =	sst s0  }
0x18: {  	s0 =	sld [smem:$0x3F9E];
	_ =	swait.ge [sflag:s4], $0x0  }
0x19: {  	s7 =	sld [smem:$0x3F9F]  }
0x1a: {  	s8 =	sadd.s32 $0xFFFFE003, lr  }
0x1b: {  	s9 =	sadd.s32 $0xFFFFFEF7, lr;
	s5 =	simm.s32 $0xFFFFFFFF;
	p2 =	slt.u32 s8, $0xFFFFF086  }
0x1c: {  	p1 =	slt.u32 s9, $0xF7A;
	s5 =	simm.s32 @!p2 $0x0  }
0x1d: {  	s5 =	simm.s32 @p1 $0x1;
	p0 =	seq.s32 s7, s2  }
0x1e: {  	s7 =	smul.u32 @!p0 $0xF7A, s2;
	p2 =	seq.s32 @!p0 s5, $0x0  }
0x1f: {  	s9 =	smul.u32 $0xF7A, s1;
	s8 =	simm.s32 @!p0 $0x1BF5;
	p2 =	por !p2, p0  }
0x20: {  	[sflag:s8] =	ssyncset.s32 @!p0 $0xFFFFF086;
	s6 =	sadd.s32 @!p0 s3, s7;
	s7 =	simm.s32 @!p0 $0x108  }
0x21: {  	s3 =	sadd.s32 s3, s9;
	s6 =	sadd.s32 @!p0 $0x88, s6;
	s7 =	simm.s32 @p2 $0x1082  }
0x22: {  	[simem:s7], [sflag:s8] =	dma.local @!p0 [hbm:s6], $0xF7A  }
0x23: {  	s9 =	sor.u32 $0xD0000000, s2;
	s6 =	simm.s32 $0x108;
	_ =	swait.ge @!p0 [sflag:s8], $0x0  }
0x24: {  	s3 =	sadd.s32 $0x88, s3;
	s6 =	simm.s32 @!p1 $0x1082;
	[sflag:s4] =	ssyncset.s32 $0xFFFFF086  }
0x25: {  	[simem:s6], [sflag:s4] =	dma.local [hbm:s3], $0xF7A  }
0x26: {  	[smem:$0x3F9F] =	sst s1;
	(tag) =	ssettag s2;
	_ =	strace s9  }
0x27: {  	s1 =	sld [smem:$0x3FAF]  }
0x28: {  	s2 =	sld [smem:$0x3FB0]  }
0x29: {  	s4 =	sld [smem:$0x3FB2]  }
0x2a: {  	p0 =	seq.s32 s5, $0x0;
	s5 =	sld [smem:$0x3FB3]  }
0x2b: {  	s6 =	sld [smem:$0x3FB4]  }
0x2c: {  	s7 =	sld [smem:$0x3FB5]  }
0x2d: {  	s3 =	simm.s32 $0x108;
	s8 =	sld [smem:$0x3FB6]  }
0x2e: {  	s3 =	simm.s32 @!p0 $0x1082;
	s9 =	sld [smem:$0x3FB7]  }
0x2f: {  	lr =	sadd.s32 s0, s3;
	s0 =	sld [smem:$0x3FAE]  }
0x30: {  	s3 =	sld [smem:$0x3FB1]  }
0x31: {  	[smem:$0x3FBA] =	sst s10  }
0x32: {  	s10 =	sld [smem:$0x3FB8];
	_ =	sdelay $0x3  }
0x33: {  	p0 =	seq.s32 s10, $0x1;
	s10 =	sld [smem:$0x3FBA];
	_ =	sdelay $0x3  }
0x34: {  	[smem:$0x3FBA] =	sst s10  }
0x35: {  	s10 =	sld [smem:$0x3FB9];
	_ =	sdelay $0x3  }
0x36: {  	p1 =	seq.s32 s10, $0x1;
	s10 =	sld [smem:$0x3FBA];
	_ =	sdelay $0x3  }
0x37: {  	[smem:$0x3FBA] =	sst s10  }
0x38: {  	s10 =	sld [smem:$0x3FBB]  }
0x39: {  	_ = 	snop;
	(pc) =	sbr.ind lr, $3  }
0x3a: {  	_ = 	snop  }
0x3b: {  	_ = 	snop  }
0x3c: {  	p2 =	seq.s32 s10, $0x1;
	s10 =	sld [smem:$0x3FBA]  }
0x3d: {  	_ =	shalt  }
0x3e: {  	_ =	shalt  }
0x3f: {  	_ =	shalt  }
0x40: {  	_ =	shalt  }
0x41: {  	_ =	shalt  }
0x42: {  	_ =	shalt  }
0x43: {  	_ =	shalt  }
0x44: {  	_ =	shalt  }
0x45: {  	_ =	shalt  }
0x46: {  	_ =	shalt  }
0x47: {  	_ =	shalt  }
0x48: {  	_ =	shalt  }
0x49: {  	_ =	shalt  }
0x4a: {  	_ =	shalt  }
0x4b: {  	_ =	shalt  }
0x4c: {  	_ =	shalt  }
0x4d: {  	_ =	shalt  }
0x4e: {  	_ =	shalt  }
0x4f: {  	_ =	shalt  }
0x50: {  	_ =	shalt  }
0x51: {  	_ =	shalt  }
0x52: {  	_ =	shalt  }
0x53: {  	_ =	shalt  }
0x54: {  	_ =	shalt  }
0x55: {  	_ =	shalt  }
0x56: {  	_ =	shalt  }
0x57: {  	_ =	shalt  }
0x58: {  	_ =	shalt  }
0x59: {  	_ =	shalt  }
0x5a: {  	_ =	shalt  }
0x5b: {  	_ =	shalt  }
0x5c: {  	_ =	shalt  }
0x5d: {  	_ =	shalt  }
0x5e: {  	_ =	shalt  }
0x5f: {  	_ =	shalt  }
0x60: {  	_ =	shalt  }
0x61: {  	_ =	shalt  }
0x62: {  	_ =	shalt  }
0x63: {  	_ =	shalt  }
0x64: {  	_ =	shalt  }
0x65: {  	_ =	shalt  }
0x66: {  	_ =	shalt  }
0x67: {  	_ =	shalt  }
0x68: {  	_ =	shalt  }
0x69: {  	_ =	shalt  }
0x6a: {  	_ =	shalt  }
0x6b: {  	_ =	shalt  }
0x6c: {  	_ =	shalt  }
0x6d: {  	_ =	shalt  }
0x6e: {  	_ =	shalt  }
0x6f: {  	_ =	shalt  }
0x70: {  	_ =	shalt  }
0x71: {  	_ =	shalt  }
0x72: {  	_ =	shalt  }
0x73: {  	_ =	shalt  }
0x74: {  	_ =	shalt  }
0x75: {  	_ =	shalt  }
0x76: {  	_ =	shalt  }
0x77: {  	_ =	shalt  }
0x78: {  	_ =	shalt  }
0x79: {  	_ =	shalt  }
0x7a: {  	_ =	shalt  }
0x7b: {  	_ =	shalt  }
0x7c: {  	_ =	shalt  }
0x7d: {  	_ =	shalt  }
0x7e: {  	_ =	shalt  }
0x7f: {  	_ =	shalt  }
0x80: {  	_ =	shalt  }
0x81: {  	_ =	shalt  }
0x82: {  	_ =	shalt  }
0x83: {  	_ =	shalt  }
0x84: {  	_ =	shalt  }
0x85: {  	_ =	shalt  }
0x86: {  	_ =	shalt  }
0x87: {  	_ =	shalt  }
.Lfunc_end0:
.L_simem_size_0:
called_computation.1_lowered:
.L_overlay_start_0:
0x88: {  	s2 =	sld [smem:$0x3FD9]  }
0x89: {  	s3 =	sld [smem:$0x3FFE];
	_ =	sdelay $0x1  }
0x8a: {  	s1 =	srdreg.scid  }
0x8b: {  	s0 =	sand.u32 $0x1, s1  }
0x8c: {  	s17 =	sshll.u32 s0, $0xA;
	s2 =	sadd.s32 s3, s2  }
0x8d: {  	s2 =	sadd.s32 s2, s17  }
0x8e: {  	[smem:$0x3FC6] =	sst s2  }
0x8f: {  	_ = 	snop  }
0x90: {  	s2 =	sld [smem:$0x3FD0];
	(tm) =	ssettm $0x1  }
0x91: {  	s18 =	sld [smem:$0x3FFB];
	_ =	sdelay $0x3  }
0x92: {  	_ =	strace s18  }
0x93: {  	s3 =	sld [smem:$0x3FFC];
	_ =	sdelay $0x3  }
0x94: {  	_ =	strace s3  }
0x95: {  	s3 =	sld [smem:$0x3FFD];
	_ =	sdelay $0x3  }
0x96: {  	_ =	strace s3  }
0x97: {  	_ =	strace $0x8FFFFFFF  }
0x98: {  	s19 =	sld [smem:$0x3FDB];
	_ =	sdelay $0x1  }
0x99: {  	s4 =	simm.s32 $_scs_section_size  }
0x9a: {  	s5 =	simm.s32 $_size__tile_overlayer_lowered;
	s6 =	simm.s32 $_tile_overlayer_lowered  }
0x9b: {  	s22 =	simm.s32 $0x1BFF;
	s21 =	sshll.u32 s6, $0x1;
	s3 =	sadd.s32 s4, s19  }
0x9c: {  	s7 =	simm.s32 $0x0;
	s20 =	sshll.u32 s5, $0x1;
	s5 =	sadd.s32 s21, s3  }
0x9d: {  	[timem:s7], [sflag:s22] =	dma.local [hbm:s5], s20  }
0x9e: {  	_ =	swait.ge [sflag:s22], s20  }
0x9f: {  	s4 =	ssub.s32 $0x0, s20;
	[sflag:s22] =	ssyncset.done $0x0  }
0xa0: {  	[sflag:s22] =	ssyncadd.s32 s4;
	_ =	sdelay $0x1  }
0xa1: {  	s23 =	simm.s32 $0x1B8B  }
0xa2: {  	_ =	swait.ge [sflag:s23], $0x1  }
0xa3: {  	[sflag:s23] =	ssyncset.done $0x0  }
0xa4: {  	s25 =	simm.s32 $0x1B8E;
	s24 =	sld [smem:$0x3FFE];
	[sflag:s23] =	ssyncadd.s32 $0xFFFFFFFF  }
0xa5: {  	s26 =	simm.s32 $execute0_lowered;
	[smem:$0x3FD2] =	sst s25  }
0xa6: {  	s5 =	sshll.u32 s26, $0x1;
	_ =	strace $0x80000046;
	[dreg:$0x1] =	wrdreg $0xFFFFFFFF  }
0xa7: {  	s28 =	simm.s32 $_size_execute0_lowered;
	s3 =	sadd.s32 s3, s5;
	[dreg:$0x0] =	wrdreg $0x0  }
0xa8: {  	s5 =	sshll.u32 s28, $0x1;
	[dreg:$0x2] =	wrdreg s3  }
0xa9: {  	[dreg:$0x3] =	wrdreg s5  }
0xaa: {  	[dreg:$0x4] =	wrdreg $0xC0  }
0xab: {  	_ =	task [dreg:s7], $0x5FFFF  }
0xac: {  	[dreg:$0x1] =	wrdreg $0xFFFFFFFF  }
0xad: {  	[dreg:$0x0] =	wrdreg $0x60  }
0xae: {  	[dreg:$0x2] =	wrdreg s24  }
0xaf: {  	[dreg:$0x3] =	wrdreg s2  }
0xb0: {  	[dreg:$0x4] =	wrdreg $0x9  }
0xb1: {  	_ =	task.clear_ibuf [dreg:s7], $0x5FFFF;
	_ =	strace $0x90000046  }
0xb2: {  	s29 =	simm.s32 $0x9;
	_ =	strace $0x80000048  }
0xb3: {  	_ =	swait.ge [sflag:s29], $0x1  }
0xb4: {  	[sflag:s29] =	ssyncadd.s32 $0xFFFFFFFF  }
0xb5: {  	_ =	strace $0x90000048  }
0xb6: {  	_ =	sfence  }
0xb7: {  	s30 =	sld [smem:$0x0];
	_ =	sdelay $0x2  }
0xb8: {  	s31 =	sshll.u32 s1, $0xD;
	s1 =	sshrl.u32 s1, $0x2  }
0xb9: {  	s3 =	sand.u32 $0x4000, s31;
	s1 =	sadd.s32 s1, s30  }
0xba: {  	s0 =	sor.u32 s3, s0;
	s1 =	sshll.u32 s1, $0x11  }
0xbb: {  	s0 =	sor.u32 s1, s0  }
0xbc: {  	s0 =	sadd.s32 $0x8F2B, s0  }
0xbd: {  	[sflag:s0] =	ssyncadd.remote.s32 $0x1  }
0xbe: {  	_ =	sfence.sel $0xFFFF  }
0xbf: {  	[dreg:$0x0] =	wrdreg $0xFFFFFFFF;
	(pc) =	sbr.abs _section_cstart, $3  }
0xc0: {  	[dreg:$0x1] =	wrdreg $0xFFFFFFFF  }
0xc1: {  	_ =	task.clear_ibuf [dreg:s7], $0x2FFFF;
	_ =	strace $0x9FFFFFFF  }
0xc2: {  	(tm) =	ssettm $0x7FFFFFFF  }
0xc3: {  	_ =	shalt  }
tec
execute0_lowered:
.L_overlay_start_1:
0x0: {  	(tag) =	ssettag $0x1  }
0x1: {  	s0 =	rddreg [dreg:$0x0];
	s1 =	srdreg.scid  }
0x2: {  	s3 =	stileid.u32;
	s2 =	rddreg [dreg:$0x1];
	s16 =	simm.s32 $0x80  }
0x3: {  	s17 =	simm.s32 $0x6400;
	s18 =	simm.s32 $0x8400;
	s20 =	simm.s32 $0xA400  }
0x4: {  	s28 =	simm.s32 $0x3;
	s1 =	sand.u32 $0x1, s1;
	s4 =	sshll.u32 s3, $0x1  }
0x5: {  	s29 =	simm.s32 $0x12400;
	s30 =	simm.s32 $0x4;
	s4 =	sor.u32 s1, s4  }
0x6: {  	s31 =	simm.s32 $0x14400;
	s19 =	simm.s32 $0x7;
	s6 =	smul.u32 $0x6400, s4  }
0x7: {  	s3 =	simm.s32 $0x0;
	s1 =	ssub.s32 $0x2, s1;
	s4 =	smul.u32 $0x190000, s4  }
0x8: {  	[smem:$0x7FF] =	sst s3;
	s21 =	sshrl.u32 s1, $0x1;
	s5 =	sshrl.u32 s6, $0x3  }
0x9: {  	s23 =	sshrl.u32 s4, $0x3;
	s7 =	sadd.s32 s5, s0;
	s5 =	sadd.s32 $0xF42E00, s0  }
0xa: {  	s0 =	ssub.s32 s1, s21;
	s1 =	sadd.s32 s2, s23;
	s22 =	sadd.s32 $0xA00, s7  }
0xb: {  	_ =	strace $0x80000047;
	s24 =	sadd.s32 $0x31000, s1;
	[dreg:$0x3] =	wrdreg s22  }
0xc: {  	s8 =	sor.u32 $0x100, s6;
	s25 =	sadd.s32 $0x31400, s1;
	[dreg:$0x4] =	wrdreg s24  }
0xd: {  	s9 =	sor.u32 $0x180, s6;
	s26 =	sadd.s32 $0x31800, s1;
	[dreg:$0x5] =	wrdreg s25  }
0xe: {  	s23 =	simm.s32 $0x1;
	s1 =	sadd.s32 $0x31C00, s1;
	[dreg:$0x6] =	wrdreg s26  }
0xf: {  	s21 =	simm.s32 $0x8;
	s0 =	smax.u32 s0, $0x1;
	[dreg:$0x7] =	wrdreg s1  }
0x10: {  	s7 =	sor.u32 $0x80, s6;
	s6 =	simm.s32 $0x0;
	[dreg:$0x8] =	wrdreg s0  }
0x11: {  	s22 =	simm.s32 $0xC400;
	s24 =	simm.s32 $0xE400;
	s25 =	simm.s32 $0x2  }
0x12: {  	s26 =	simm.s32 $0x10400;
	s1 =	simm.s32 $0x5;
	s0 =	simm.s32 $0x6  }
.LBB2_1:
0x13: {  	s10 =	rddreg [dreg:$0x3];
	s13 =	simm.s32 $0x9  }
0x14: {  	[tilespmem:s3], [sflag:$0x9] =	stream.linear.gather [hbm4b:s10+s3], $0x6400, $0x38;
	[tilespmem:$0x16400] =	vst v63  }
0x15: {  	_ =	swait.ge [sflag:s13], $0x6400  }
0x16: {  	[sflag:s13] =	ssyncset.done $0x0  }
0x17: {  	[sflag:s13] =	ssyncadd.s32 $0xFFFF9C00  }
0x18: {  	[tilespmem:s17], [sflag:$0x1] =	stream.indirect.gather [hbm4b:s5+s16], $0x40, s3, s16, $0xb8;
	[tilespmem:$0x16400] =	vst v63  }
0x19: {  	_ = 	snop  }
0x1a: {  	[tilespmem:s18], [sflag:$0x2] =	stream.indirect.gather [hbm4b:s5+s16], $0x40, s16, s16, $0xb8;
	[tilespmem:$0x16400] =	vst v63  }
0x1b: {  	s14 =	simm.s32 $0x100  }
0x1c: {  	[tilespmem:s20], [sflag:$0x3] =	stream.indirect.gather [hbm4b:s5+s16], $0x40, s14, s16, $0xb8;
	[tilespmem:$0x16400] =	vst v63  }
0x1d: {  	s15 =	simm.s32 $0x180;
	s10 =	simm.s32 $0x0  }
0x1e: {  	[tilespmem:s22], [sflag:$0x4] =	stream.indirect.gather [hbm4b:s5+s16], $0x40, s15, s16, $0xb8;
	[tilespmem:$0x16400] =	vst v63  }
.LBB2_2:
0x1f: {  	_ =	swait.ge [sflag:s23], $0x2000  }
0x20: {  	p0 =	seq.s32 s10, $0x0;
	[sflag:s23] =	ssyncset.done $0x0  }
0x21: {  	s11 =	simm.s32 @!p0 $0x5;
	[sflag:s23] =	ssyncadd.s32 $0xFFFFE000  }
0x22: {  	_ =	swait.ge @!p0 [sflag:s11], $0x2000  }
0x23: {  	[sflag:s11] =	ssyncset.done @!p0 $0x0  }
0x24: {  	s13 =	simm.s32 $0x6500;
	[sflag:s11] =	ssyncadd.s32 @!p0 $0xFFFFE000  }
0x25: {  	v0 =	vld [tilespmem:s13+$0xC0]  }
0x26: {  	v1 =	vld [tilespmem:s13+$0xFFFFFF40]  }
0x27: {  	v2 =	vld [tilespmem:s13+$0xFFFFFF80]  }
0x28: {  	v3 =	vld [tilespmem:s13+$0xFFFFFFC0]  }
0x29: {  	v4 =	vld [tilespmem:s13+$0x0]  }
0x2a: {  	v5 =	vld [tilespmem:s13+$0x40];
	v0 =	vmul.f32 $8.000000000e+00, v0  }
0x2b: {  	s11 =	simm.s32 $0xE500;
	v6 =	vld [tilespmem:s13+$0x80];
	v1 =	vmul.f32 $8.000000000e+00, v1  }
0x2c: {  	v7 =	vld [tilespmem:s13+$0xFFFFFF00];
	v2 =	vmul.f32 $8.000000000e+00, v2;
	[tilespmem:s11+$0xC0] =	vst v0  }
0x2d: {  	[tilespmem:s11+$0xFFFFFF40] =	vst v1;
	v0 =	vmul.f32 $8.000000000e+00, v3;
	v1 =	vld [tilespmem:s13+$0xD0]  }
0x2e: {  	[tilespmem:s11+$0xFFFFFF80] =	vst v2;
	v2 =	vmul.f32 $8.000000000e+00, v4;
	v3 =	vld [tilespmem:s13+$0xFFFFFF50]  }
0x2f: {  	v4 =	vld [tilespmem:s13+$0xFFFFFF90];
	[tilespmem:s11+$0xFFFFFFC0] =	vst v0;
	v0 =	vmul.f32 $8.000000000e+00, v5  }
0x30: {  	[tilespmem:s11+$0x0] =	vst v2;
	v2 =	vmul.f32 $8.000000000e+00, v6;
	v5 =	vld [tilespmem:s13+$0xFFFFFFD0]  }
0x31: {  	v6 =	vmul.f32 $8.000000000e+00, v7;
	v7 =	vld [tilespmem:s13+$0x10];
	[tilespmem:s11+$0x40] =	vst v0  }
0x32: {  	[tilespmem:s11+$0x80] =	vst v2;
	v0 =	vld [tilespmem:s13+$0x50];
	v1 =	vmul.f32 $8.000000000e+00, v1  }
0x33: {  	[tilespmem:s11+$0xFFFFFF00] =	vst v6;
	v2 =	vmul.f32 $8.000000000e+00, v3;
	v3 =	vld [tilespmem:s13+$0x90]  }
0x34: {  	v6 =	vld [tilespmem:s13+$0xFFFFFF10];
	v4 =	vmul.f32 $8.000000000e+00, v4;
	[tilespmem:s11+$0xD0] =	vst v1  }
0x35: {  	[tilespmem:s11+$0xFFFFFF50] =	vst v2;
	v1 =	vmul.f32 $8.000000000e+00, v5;
	v2 =	vld [tilespmem:s13+$0xE0]  }
0x36: {  	[tilespmem:s11+$0xFFFFFF90] =	vst v4;
	v4 =	vmul.f32 $8.000000000e+00, v7;
	v5 =	vld [tilespmem:s13+$0xFFFFFF60]  }
0x37: {  	v7 =	vld [tilespmem:s13+$0xFFFFFFA0];
	[tilespmem:s11+$0xFFFFFFD0] =	vst v1;
	v0 =	vmul.f32 $8.000000000e+00, v0  }
0x38: {  	[tilespmem:s11+$0x10] =	vst v4;
	v1 =	vld [tilespmem:s13+$0xFFFFFFE0];
	v3 =	vmul.f32 $8.000000000e+00, v3  }
0x39: {  	v4 =	vmul.f32 $8.000000000e+00, v6;
	v6 =	vld [tilespmem:s13+$0x20];
	[tilespmem:s11+$0x50] =	vst v0  }
0x3a: {  	v0 =	vld [tilespmem:s13+$0x60];
	[tilespmem:s11+$0x90] =	vst v3;
	v2 =	vmul.f32 $8.000000000e+00, v2  }
0x3b: {  	[tilespmem:s11+$0xFFFFFF10] =	vst v4;
	v3 =	vmul.f32 $8.000000000e+00, v5;
	v4 =	vld [tilespmem:s13+$0xA0]  }
0x3c: {  	v5 =	vld [tilespmem:s13+$0xFFFFFF20];
	v7 =	vmul.f32 $8.000000000e+00, v7;
	[tilespmem:s11+$0xE0] =	vst v2  }
0x3d: {  	[tilespmem:s11+$0xFFFFFF60] =	vst v3;
	v1 =	vmul.f32 $8.000000000e+00, v1;
	v3 =	vld [tilespmem:s13+$0xF0]  }
0x3e: {  	[tilespmem:s11+$0xFFFFFFA0] =	vst v7;
	v2 =	vmul.f32 $8.000000000e+00, v6;
	v8 =	vld [tilespmem:s13+$0xFFFFFF70]  }
0x3f: {  	v7 =	vld [tilespmem:s13+$0xFFFFFFB0];
	[tilespmem:s11+$0xFFFFFFE0] =	vst v1;
	v1 =	vmul.f32 $8.000000000e+00, v0  }
0x40: {  	[tilespmem:s11+$0x20] =	vst v2;
	v0 =	vld [tilespmem:s13+$0xFFFFFFF0];
	v4 =	vmul.f32 $8.000000000e+00, v4  }
0x41: {  	v5 =	vmul.f32 $8.000000000e+00, v5;
	v2 =	vld [tilespmem:s13+$0x30];
	[tilespmem:s11+$0x60] =	vst v1  }
0x42: {  	v1 =	vld [tilespmem:s13+$0x70];
	[tilespmem:s11+$0xA0] =	vst v4;
	v9 =	vmul.f32 $8.000000000e+00, v3  }
0x43: {  	[tilespmem:s11+$0xFFFFFF20] =	vst v5;
	v3 =	vld [tilespmem:s13+$0xB0];
	v6 =	vmul.f32 $8.000000000e+00, v8  }
0x44: {  	s12 =	simm.s32 $0x0;
	v4 =	vld [tilespmem:s13+$0xFFFFFF30];
	v5 =	vmul.f32 $8.000000000e+00, v7;
	s13 =	simm.s32 $0x6700;
	[tilespmem:s11+$0xF0] =	vst v9  }
.LBB2_3:
0x45: {  	v7 =	vld [tilespmem:s13+$0xC0];
	s12 =	sadd.s32 $0x8, s12;
	[tilespmem:s11+$0xFFFFFF70] =	vst v6;
	v0 =	vmul.f32 $8.000000000e+00, v0  }
0x46: {  	v6 =	vld [tilespmem:s13+$0xFFFFFF40];
	p1 =	slt.u32 s12, $0x78;
	[tilespmem:s11+$0xFFFFFFB0] =	vst v5;
	v2 =	vmul.f32 $8.000000000e+00, v2  }
0x47: {  	v5 =	vld [tilespmem:s13+$0xFFFFFF80];
	[tilespmem:s11+$0xFFFFFFF0] =	vst v0;
	v0 =	vmul.f32 $8.000000000e+00, v1  }
0x48: {  	v1 =	vld [tilespmem:s13+$0xFFFFFFC0];
	[tilespmem:s11+$0x30] =	vst v2;
	v2 =	vmul.f32 $8.000000000e+00, v3  }
0x49: {  	v3 =	vld [tilespmem:s13+$0x0];
	v4 =	vmul.f32 $8.000000000e+00, v4;
	[tilespmem:s11+$0x70] =	vst v0  }
0x4a: {  	v0 =	vld [tilespmem:s13+$0x40];
	v7 =	vmul.f32 $8.000000000e+00, v7;
	[tilespmem:s11+$0xB0] =	vst v2  }
0x4b: {  	v2 =	vmul.f32 $8.000000000e+00, v6;
	v6 =	vld [tilespmem:s13+$0x80];
	[tilespmem:s11+$0xFFFFFF30] =	vst v4;
	s11 =	sadd.s32 $0x200, s11  }
0x4c: {  	v4 =	vld [tilespmem:s13+$0xFFFFFF00];
	v5 =	vmul.f32 $8.000000000e+00, v5;
	[tilespmem:s11+$0xC0] =	vst v7  }
0x4d: {  	[tilespmem:s11+$0xFFFFFF40] =	vst v2;
	v1 =	vmul.f32 $8.000000000e+00, v1;
	v2 =	vld [tilespmem:s13+$0xD0]  }
0x4e: {  	v7 =	vld [tilespmem:s13+$0xFFFFFF50];
	[tilespmem:s11+$0xFFFFFF80] =	vst v5;
	v3 =	vmul.f32 $8.000000000e+00, v3  }
0x4f: {  	v5 =	vld [tilespmem:s13+$0xFFFFFF90];
	[tilespmem:s11+$0xFFFFFFC0] =	vst v1;
	v0 =	vmul.f32 $8.000000000e+00, v0  }
0x50: {  	v1 =	vld [tilespmem:s13+$0xFFFFFFD0];
	[tilespmem:s11+$0x0] =	vst v3;
	v3 =	vmul.f32 $8.000000000e+00, v6  }
0x51: {  	v4 =	vmul.f32 $8.000000000e+00, v4;
	v6 =	vld [tilespmem:s13+$0x10];
	[tilespmem:s11+$0x40] =	vst v0  }
0x52: {  	v0 =	vld [tilespmem:s13+$0x50];
	[tilespmem:s11+$0x80] =	vst v3;
	v2 =	vmul.f32 $8.000000000e+00, v2  }
0x53: {  	[tilespmem:s11+$0xFFFFFF00] =	vst v4;
	v3 =	vmul.f32 $8.000000000e+00, v7;
	v4 =	vld [tilespmem:s13+$0x90]  }
0x54: {  	v7 =	vld [tilespmem:s13+$0xFFFFFF10];
	v5 =	vmul.f32 $8.000000000e+00, v5;
	[tilespmem:s11+$0xD0] =	vst v2  }
0x55: {  	[tilespmem:s11+$0xFFFFFF50] =	vst v3;
	v1 =	vmul.f32 $8.000000000e+00, v1;
	v2 =	vld [tilespmem:s13+$0xE0]  }
0x56: {  	v3 =	vld [tilespmem:s13+$0xFFFFFF60];
	[tilespmem:s11+$0xFFFFFF90] =	vst v5;
	v5 =	vmul.f32 $8.000000000e+00, v6  }
0x57: {  	v6 =	vld [tilespmem:s13+$0xFFFFFFA0];
	[tilespmem:s11+$0xFFFFFFD0] =	vst v1;
	v0 =	vmul.f32 $8.000000000e+00, v0  }
0x58: {  	v1 =	vld [tilespmem:s13+$0xFFFFFFE0];
	[tilespmem:s11+$0x10] =	vst v5;
	v4 =	vmul.f32 $8.000000000e+00, v4  }
0x59: {  	v5 =	vmul.f32 $8.000000000e+00, v7;
	v7 =	vld [tilespmem:s13+$0x20];
	[tilespmem:s11+$0x50] =	vst v0  }
0x5a: {  	v0 =	vld [tilespmem:s13+$0x60];
	[tilespmem:s11+$0x90] =	vst v4;
	v2 =	vmul.f32 $8.000000000e+00, v2  }
0x5b: {  	[tilespmem:s11+$0xFFFFFF10] =	vst v5;
	v3 =	vmul.f32 $8.000000000e+00, v3;
	v4 =	vld [tilespmem:s13+$0xA0]  }
0x5c: {  	v5 =	vld [tilespmem:s13+$0xFFFFFF20];
	v6 =	vmul.f32 $8.000000000e+00, v6;
	[tilespmem:s11+$0xE0] =	vst v2  }
0x5d: {  	[tilespmem:s11+$0xFFFFFF60] =	vst v3;
	v1 =	vmul.f32 $8.000000000e+00, v1;
	v3 =	vld [tilespmem:s13+$0xF0]  }
0x5e: {  	v8 =	vld [tilespmem:s13+$0xFFFFFF70];
	[tilespmem:s11+$0xFFFFFFA0] =	vst v6;
	v2 =	vmul.f32 $8.000000000e+00, v7  }
0x5f: {  	v7 =	vld [tilespmem:s13+$0xFFFFFFB0];
	[tilespmem:s11+$0xFFFFFFE0] =	vst v1;
	v1 =	vmul.f32 $8.000000000e+00, v0  }
.Ltmp0:
0x60: {  	v0 =	vld [tilespmem:s13+$0xFFFFFFF0];
	[tilespmem:s11+$0x20] =	vst v2;
	v4 =	vmul.f32 $8.000000000e+00, v4;
	(pc) =	sbr.rel @p1 .LBB2_3-.Ltmp0, $4  }
0x61: {  	v5 =	vmul.f32 $8.000000000e+00, v5;
	v2 =	vld [tilespmem:s13+$0x30];
	[tilespmem:s11+$0x60] =	vst v1  }
0x62: {  	v1 =	vld [tilespmem:s13+$0x70];
	[tilespmem:s11+$0xA0] =	vst v4;
	v9 =	vmul.f32 $8.000000000e+00, v3  }
0x63: {  	[tilespmem:s11+$0xFFFFFF20] =	vst v5;
	v6 =	vmul.f32 $8.000000000e+00, v8;
	v3 =	vld [tilespmem:s13+$0xB0]  }
0x64: {  	v4 =	vld [tilespmem:s13+$0xFFFFFF30];
	v5 =	vmul.f32 $8.000000000e+00, v7;
	[tilespmem:s11+$0xF0] =	vst v9;
	s13 =	sadd.s32 $0x200, s13  }
0x65: {  	[tilespmem:s11+$0xFFFFFF70] =	vst v6;
	v0 =	vmul.f32 $8.000000000e+00, v0  }
0x66: {  	[tilespmem:s11+$0xFFFFFFB0] =	vst v5;
	v2 =	vmul.f32 $8.000000000e+00, v2  }
0x67: {  	s12 =	sshll.u32 s10, $0xF;
	[tilespmem:s11+$0xFFFFFFF0] =	vst v0;
	v0 =	vmul.f32 $8.000000000e+00, v1  }
0x68: {  	s12 =	sadd.s32 s4, s12;
	[tilespmem:s11+$0x30] =	vst v2;
	v1 =	vmul.f32 $8.000000000e+00, v3  }
0x69: {  	s12 =	sshrl.u32 s12, $0x3;
	v2 =	vmul.f32 $8.000000000e+00, v4;
	[tilespmem:s11+$0x70] =	vst v0  }
0x6a: {  	s15 =	sadd.s32 s2, s12;
	s12 =	sshll.u32 s10, $0x9;
	[tilespmem:s11+$0xB0] =	vst v1  }
0x6b: {  	[tilespmem:s11+$0xFFFFFF30] =	vst v2;
	s11 =	sand.u32 $0x3FFFFE00, s12  }
0x6c: {  	[hbm4b:s15+s3] =	stream.linear.scatter [tilespmem:s24], [sflag:$0x5], $0x2000, $0x38;
	[tilespmem:$0x16400] =	vst v63  }
0x6d: {  	s13 =	sadd.s32 $0x200, s11  }
0x6e: {  	[tilespmem:s17], [sflag:$0x1] =	stream.indirect.gather [hbm4b:s5+s16], $0x40, s13, s16, $0xb8;
	[tilespmem:$0x16400] =	vst v63  }
0x6f: {  	_ =	swait.ge [sflag:s25], $0x2000  }
0x70: {  	[sflag:s25] =	ssyncset.done $0x0  }
0x71: {  	s13 =	simm.s32 @!p0 $0x6;
	[sflag:s25] =	ssyncadd.s32 $0xFFFFE000  }
0x72: {  	_ =	swait.ge @!p0 [sflag:s13], $0x2000  }
0x73: {  	[sflag:s13] =	ssyncset.done @!p0 $0x0  }
0x74: {  	s15 =	simm.s32 $0x8500;
	[sflag:s13] =	ssyncadd.s32 @!p0 $0xFFFFE000  }
0x75: {  	v0 =	vld [tilespmem:s15+$0xC0]  }
0x76: {  	v1 =	vld [tilespmem:s15+$0xFFFFFF40]  }
0x77: {  	v2 =	vld [tilespmem:s15+$0xFFFFFF80]  }
0x78: {  	v3 =	vld [tilespmem:s15+$0xFFFFFFC0]  }
0x79: {  	v4 =	vld [tilespmem:s15+$0x0]  }
0x7a: {  	v5 =	vld [tilespmem:s15+$0x40];
	v0 =	vmul.f32 $8.000000000e+00, v0  }
0x7b: {  	s13 =	simm.s32 $0x10500;
	v6 =	vld [tilespmem:s15+$0x80];
	v1 =	vmul.f32 $8.000000000e+00, v1  }
0x7c: {  	v7 =	vld [tilespmem:s15+$0xFFFFFF00];
	v2 =	vmul.f32 $8.000000000e+00, v2;
	[tilespmem:s13+$0xC0] =	vst v0  }
0x7d: {  	[tilespmem:s13+$0xFFFFFF40] =	vst v1;
	v0 =	vmul.f32 $8.000000000e+00, v3;
	v1 =	vld [tilespmem:s15+$0xD0]  }
0x7e: {  	[tilespmem:s13+$0xFFFFFF80] =	vst v2;
	v2 =	vmul.f32 $8.000000000e+00, v4;
	v3 =	vld [tilespmem:s15+$0xFFFFFF50]  }
0x7f: {  	v4 =	vld [tilespmem:s15+$0xFFFFFF90];
	[tilespmem:s13+$0xFFFFFFC0] =	vst v0;
	v0 =	vmul.f32 $8.000000000e+00, v5  }
0x80: {  	[tilespmem:s13+$0x0] =	vst v2;
	v2 =	vmul.f32 $8.000000000e+00, v6;
	v5 =	vld [tilespmem:s15+$0xFFFFFFD0]  }
0x81: {  	v6 =	vmul.f32 $8.000000000e+00, v7;
	v7 =	vld [tilespmem:s15+$0x10];
	[tilespmem:s13+$0x40] =	vst v0  }
0x82: {  	[tilespmem:s13+$0x80] =	vst v2;
	v0 =	vld [tilespmem:s15+$0x50];
	v1 =	vmul.f32 $8.000000000e+00, v1  }
0x83: {  	[tilespmem:s13+$0xFFFFFF00] =	vst v6;
	v2 =	vmul.f32 $8.000000000e+00, v3;
	v3 =	vld [tilespmem:s15+$0x90]  }
0x84: {  	v6 =	vld [tilespmem:s15+$0xFFFFFF10];
	v4 =	vmul.f32 $8.000000000e+00, v4;
	[tilespmem:s13+$0xD0] =	vst v1  }
0x85: {  	[tilespmem:s13+$0xFFFFFF50] =	vst v2;
	v1 =	vmul.f32 $8.000000000e+00, v5;
	v2 =	vld [tilespmem:s15+$0xE0]  }
0x86: {  	[tilespmem:s13+$0xFFFFFF90] =	vst v4;
	v4 =	vmul.f32 $8.000000000e+00, v7;
	v5 =	vld [tilespmem:s15+$0xFFFFFF60]  }
0x87: {  	v7 =	vld [tilespmem:s15+$0xFFFFFFA0];
	[tilespmem:s13+$0xFFFFFFD0] =	vst v1;
	v0 =	vmul.f32 $8.000000000e+00, v0  }
0x88: {  	[tilespmem:s13+$0x10] =	vst v4;
	v1 =	vld [tilespmem:s15+$0xFFFFFFE0];
	v3 =	vmul.f32 $8.000000000e+00, v3  }
0x89: {  	v4 =	vmul.f32 $8.000000000e+00, v6;
	v6 =	vld [tilespmem:s15+$0x20];
	[tilespmem:s13+$0x50] =	vst v0  }
0x8a: {  	v0 =	vld [tilespmem:s15+$0x60];
	[tilespmem:s13+$0x90] =	vst v3;
	v2 =	vmul.f32 $8.000000000e+00, v2  }
0x8b: {  	[tilespmem:s13+$0xFFFFFF10] =	vst v4;
	v3 =	vmul.f32 $8.000000000e+00, v5;
	v4 =	vld [tilespmem:s15+$0xA0]  }
0x8c: {  	v5 =	vld [tilespmem:s15+$0xFFFFFF20];
	v7 =	vmul.f32 $8.000000000e+00, v7;
	[tilespmem:s13+$0xE0] =	vst v2  }
0x8d: {  	[tilespmem:s13+$0xFFFFFF60] =	vst v3;
	v1 =	vmul.f32 $8.000000000e+00, v1;
	v3 =	vld [tilespmem:s15+$0xF0]  }
0x8e: {  	[tilespmem:s13+$0xFFFFFFA0] =	vst v7;
	v2 =	vmul.f32 $8.000000000e+00, v6;
	v8 =	vld [tilespmem:s15+$0xFFFFFF70]  }
0x8f: {  	v7 =	vld [tilespmem:s15+$0xFFFFFFB0];
	[tilespmem:s13+$0xFFFFFFE0] =	vst v1;
	v1 =	vmul.f32 $8.000000000e+00, v0  }
0x90: {  	[tilespmem:s13+$0x20] =	vst v2;
	v0 =	vld [tilespmem:s15+$0xFFFFFFF0];
	v4 =	vmul.f32 $8.000000000e+00, v4  }
0x91: {  	v5 =	vmul.f32 $8.000000000e+00, v5;
	v2 =	vld [tilespmem:s15+$0x30];
	[tilespmem:s13+$0x60] =	vst v1  }
0x92: {  	v1 =	vld [tilespmem:s15+$0x70];
	[tilespmem:s13+$0xA0] =	vst v4;
	v9 =	vmul.f32 $8.000000000e+00, v3  }
0x93: {  	[tilespmem:s13+$0xFFFFFF20] =	vst v5;
	v3 =	vld [tilespmem:s15+$0xB0];
	v6 =	vmul.f32 $8.000000000e+00, v8  }
0x94: {  	s14 =	simm.s32 $0x0;
	v4 =	vld [tilespmem:s15+$0xFFFFFF30];
	v5 =	vmul.f32 $8.000000000e+00, v7;
	s15 =	simm.s32 $0x8700;
	[tilespmem:s13+$0xF0] =	vst v9  }
.LBB2_5:
0x95: {  	v7 =	vld [tilespmem:s15+$0xC0];
	s14 =	sadd.s32 $0x8, s14;
	[tilespmem:s13+$0xFFFFFF70] =	vst v6;
	v0 =	vmul.f32 $8.000000000e+00, v0  }
0x96: {  	v6 =	vld [tilespmem:s15+$0xFFFFFF40];
	p1 =	slt.u32 s14, $0x78;
	[tilespmem:s13+$0xFFFFFFB0] =	vst v5;
	v2 =	vmul.f32 $8.000000000e+00, v2  }
0x97: {  	v5 =	vld [tilespmem:s15+$0xFFFFFF80];
	[tilespmem:s13+$0xFFFFFFF0] =	vst v0;
	v0 =	vmul.f32 $8.000000000e+00, v1  }
0x98: {  	v1 =	vld [tilespmem:s15+$0xFFFFFFC0];
	[tilespmem:s13+$0x30] =	vst v2;
	v2 =	vmul.f32 $8.000000000e+00, v3  }
0x99: {  	v3 =	vld [tilespmem:s15+$0x0];
	v4 =	vmul.f32 $8.000000000e+00, v4;
	[tilespmem:s13+$0x70] =	vst v0  }
0x9a: {  	v0 =	vld [tilespmem:s15+$0x40];
	v7 =	vmul.f32 $8.000000000e+00, v7;
	[tilespmem:s13+$0xB0] =	vst v2  }
0x9b: {  	v2 =	vmul.f32 $8.000000000e+00, v6;
	v6 =	vld [tilespmem:s15+$0x80];
	[tilespmem:s13+$0xFFFFFF30] =	vst v4;
	s13 =	sadd.s32 $0x200, s13  }
0x9c: {  	v4 =	vld [tilespmem:s15+$0xFFFFFF00];
	v5 =	vmul.f32 $8.000000000e+00, v5;
	[tilespmem:s13+$0xC0] =	vst v7  }
0x9d: {  	[tilespmem:s13+$0xFFFFFF40] =	vst v2;
	v1 =	vmul.f32 $8.000000000e+00, v1;
	v2 =	vld [tilespmem:s15+$0xD0]  }
0x9e: {  	v7 =	vld [tilespmem:s15+$0xFFFFFF50];
	[tilespmem:s13+$0xFFFFFF80] =	vst v5;
	v3 =	vmul.f32 $8.000000000e+00, v3  }
0x9f: {  	v5 =	vld [tilespmem:s15+$0xFFFFFF90];
	[tilespmem:s13+$0xFFFFFFC0] =	vst v1;
	v0 =	vmul.f32 $8.000000000e+00, v0  }
0xa0: {  	v1 =	vld [tilespmem:s15+$0xFFFFFFD0];
	[tilespmem:s13+$0x0] =	vst v3;
	v3 =	vmul.f32 $8.000000000e+00, v6  }
0xa1: {  	v4 =	vmul.f32 $8.000000000e+00, v4;
	v6 =	vld [tilespmem:s15+$0x10];
	[tilespmem:s13+$0x40] =	vst v0  }
0xa2: {  	v0 =	vld [tilespmem:s15+$0x50];
	[tilespmem:s13+$0x80] =	vst v3;
	v2 =	vmul.f32 $8.000000000e+00, v2  }
0xa3: {  	[tilespmem:s13+$0xFFFFFF00] =	vst v4;
	v3 =	vmul.f32 $8.000000000e+00, v7;
	v4 =	vld [tilespmem:s15+$0x90]  }
0xa4: {  	v7 =	vld [tilespmem:s15+$0xFFFFFF10];
	v5 =	vmul.f32 $8.000000000e+00, v5;
	[tilespmem:s13+$0xD0] =	vst v2  }
0xa5: {  	[tilespmem:s13+$0xFFFFFF50] =	vst v3;
	v1 =	vmul.f32 $8.000000000e+00, v1;
	v2 =	vld [tilespmem:s15+$0xE0]  }
0xa6: {  	v3 =	vld [tilespmem:s15+$0xFFFFFF60];
	[tilespmem:s13+$0xFFFFFF90] =	vst v5;
	v5 =	vmul.f32 $8.000000000e+00, v6  }
0xa7: {  	v6 =	vld [tilespmem:s15+$0xFFFFFFA0];
	[tilespmem:s13+$0xFFFFFFD0] =	vst v1;
	v0 =	vmul.f32 $8.000000000e+00, v0  }
0xa8: {  	v1 =	vld [tilespmem:s15+$0xFFFFFFE0];
	[tilespmem:s13+$0x10] =	vst v5;
	v4 =	vmul.f32 $8.000000000e+00, v4  }
0xa9: {  	v5 =	vmul.f32 $8.000000000e+00, v7;
	v7 =	vld [tilespmem:s15+$0x20];
	[tilespmem:s13+$0x50] =	vst v0  }
0xaa: {  	v0 =	vld [tilespmem:s15+$0x60];
	[tilespmem:s13+$0x90] =	vst v4;
	v2 =	vmul.f32 $8.000000000e+00, v2  }
0xab: {  	[tilespmem:s13+$0xFFFFFF10] =	vst v5;
	v3 =	vmul.f32 $8.000000000e+00, v3;
	v4 =	vld [tilespmem:s15+$0xA0]  }
0xac: {  	v5 =	vld [tilespmem:s15+$0xFFFFFF20];
	v6 =	vmul.f32 $8.000000000e+00, v6;
	[tilespmem:s13+$0xE0] =	vst v2  }
0xad: {  	[tilespmem:s13+$0xFFFFFF60] =	vst v3;
	v1 =	vmul.f32 $8.000000000e+00, v1;
	v3 =	vld [tilespmem:s15+$0xF0]  }
0xae: {  	v8 =	vld [tilespmem:s15+$0xFFFFFF70];
	[tilespmem:s13+$0xFFFFFFA0] =	vst v6;
	v2 =	vmul.f32 $8.000000000e+00, v7  }
0xaf: {  	v7 =	vld [tilespmem:s15+$0xFFFFFFB0];
	[tilespmem:s13+$0xFFFFFFE0] =	vst v1;
	v1 =	vmul.f32 $8.000000000e+00, v0  }
.Ltmp1:
0xb0: {  	v0 =	vld [tilespmem:s15+$0xFFFFFFF0];
	[tilespmem:s13+$0x20] =	vst v2;
	v4 =	vmul.f32 $8.000000000e+00, v4;
	(pc) =	sbr.rel @p1 .LBB2_5-.Ltmp1, $4  }
0xb1: {  	v5 =	vmul.f32 $8.000000000e+00, v5;
	v2 =	vld [tilespmem:s15+$0x30];
	[tilespmem:s13+$0x60] =	vst v1  }
0xb2: {  	v1 =	vld [tilespmem:s15+$0x70];
	[tilespmem:s13+$0xA0] =	vst v4;
	v9 =	vmul.f32 $8.000000000e+00, v3  }
0xb3: {  	[tilespmem:s13+$0xFFFFFF20] =	vst v5;
	v6 =	vmul.f32 $8.000000000e+00, v8;
	v3 =	vld [tilespmem:s15+$0xB0]  }
0xb4: {  	v4 =	vld [tilespmem:s15+$0xFFFFFF30];
	v5 =	vmul.f32 $8.000000000e+00, v7;
	[tilespmem:s13+$0xF0] =	vst v9;
	s15 =	sadd.s32 $0x200, s15  }
0xb5: {  	[tilespmem:s13+$0xFFFFFF70] =	vst v6;
	v0 =	vmul.f32 $8.000000000e+00, v0  }
0xb6: {  	[tilespmem:s13+$0xFFFFFFB0] =	vst v5;
	v2 =	vmul.f32 $8.000000000e+00, v2  }
0xb7: {  	[tilespmem:s13+$0xFFFFFFF0] =	vst v0;
	v0 =	vmul.f32 $8.000000000e+00, v1  }
0xb8: {  	s14 =	sadd.s32 s12, s7;
	[tilespmem:s13+$0x30] =	vst v2;
	v1 =	vmul.f32 $8.000000000e+00, v3  }
0xb9: {  	s14 =	sshll.u32 s14, $0x3;
	v2 =	vmul.f32 $8.000000000e+00, v4;
	[tilespmem:s13+$0x70] =	vst v0  }
0xba: {  	s14 =	sand.u32 $0x1FFFF400, s14;
	[tilespmem:s13+$0xB0] =	vst v1  }
0xbb: {  	s14 =	sadd.s32 s2, s14;
	[tilespmem:s13+$0xFFFFFF30] =	vst v2  }
0xbc: {  	[hbm4b:s14+s3] =	stream.linear.scatter [tilespmem:s26], [sflag:$0x6], $0x2000, $0x38;
	[tilespmem:$0x16400] =	vst v63  }
0xbd: {  	s15 =	sadd.s32 $0x280, s11  }
0xbe: {  	[tilespmem:s18], [sflag:$0x2] =	stream.indirect.gather [hbm4b:s5+s16], $0x40, s15, s16, $0xb8;
	[tilespmem:$0x16400] =	vst v63  }
0xbf: {  	_ =	swait.ge [sflag:s28], $0x2000  }
0xc0: {  	[sflag:s28] =	ssyncset.done $0x0  }
0xc1: {  	s13 =	simm.s32 @!p0 $0x7;
	[sflag:s28] =	ssyncadd.s32 $0xFFFFE000  }
0xc2: {  	_ =	swait.ge @!p0 [sflag:s13], $0x2000  }
0xc3: {  	[sflag:s13] =	ssyncset.done @!p0 $0x0  }
0xc4: {  	s15 =	simm.s32 $0xA500;
	[sflag:s13] =	ssyncadd.s32 @!p0 $0xFFFFE000  }
0xc5: {  	v0 =	vld [tilespmem:s15+$0xC0]  }
0xc6: {  	v1 =	vld [tilespmem:s15+$0xFFFFFF40]  }
0xc7: {  	v2 =	vld [tilespmem:s15+$0xFFFFFF80]  }
0xc8: {  	v3 =	vld [tilespmem:s15+$0xFFFFFFC0]  }
0xc9: {  	v4 =	vld [tilespmem:s15+$0x0]  }
0xca: {  	v5 =	vld [tilespmem:s15+$0x40];
	v0 =	vmul.f32 $8.000000000e+00, v0  }
0xcb: {  	s13 =	simm.s32 $0x12500;
	v6 =	vld [tilespmem:s15+$0x80];
	v1 =	vmul.f32 $8.000000000e+00, v1  }
0xcc: {  	v7 =	vld [tilespmem:s15+$0xFFFFFF00];
	v2 =	vmul.f32 $8.000000000e+00, v2;
	[tilespmem:s13+$0xC0] =	vst v0  }
0xcd: {  	[tilespmem:s13+$0xFFFFFF40] =	vst v1;
	v0 =	vmul.f32 $8.000000000e+00, v3;
	v1 =	vld [tilespmem:s15+$0xD0]  }
0xce: {  	[tilespmem:s13+$0xFFFFFF80] =	vst v2;
	v2 =	vmul.f32 $8.000000000e+00, v4;
	v3 =	vld [tilespmem:s15+$0xFFFFFF50]  }
0xcf: {  	v4 =	vld [tilespmem:s15+$0xFFFFFF90];
	[tilespmem:s13+$0xFFFFFFC0] =	vst v0;
	v0 =	vmul.f32 $8.000000000e+00, v5  }
0xd0: {  	[tilespmem:s13+$0x0] =	vst v2;
	v2 =	vmul.f32 $8.000000000e+00, v6;
	v5 =	vld [tilespmem:s15+$0xFFFFFFD0]  }
0xd1: {  	v6 =	vmul.f32 $8.000000000e+00, v7;
	v7 =	vld [tilespmem:s15+$0x10];
	[tilespmem:s13+$0x40] =	vst v0  }
0xd2: {  	[tilespmem:s13+$0x80] =	vst v2;
	v0 =	vld [tilespmem:s15+$0x50];
	v1 =	vmul.f32 $8.000000000e+00, v1  }
0xd3: {  	[tilespmem:s13+$0xFFFFFF00] =	vst v6;
	v2 =	vmul.f32 $8.000000000e+00, v3;
	v3 =	vld [tilespmem:s15+$0x90]  }
0xd4: {  	v6 =	vld [tilespmem:s15+$0xFFFFFF10];
	v4 =	vmul.f32 $8.000000000e+00, v4;
	[tilespmem:s13+$0xD0] =	vst v1  }
0xd5: {  	[tilespmem:s13+$0xFFFFFF50] =	vst v2;
	v1 =	vmul.f32 $8.000000000e+00, v5;
	v2 =	vld [tilespmem:s15+$0xE0]  }
0xd6: {  	[tilespmem:s13+$0xFFFFFF90] =	vst v4;
	v4 =	vmul.f32 $8.000000000e+00, v7;
	v5 =	vld [tilespmem:s15+$0xFFFFFF60]  }
0xd7: {  	v7 =	vld [tilespmem:s15+$0xFFFFFFA0];
	[tilespmem:s13+$0xFFFFFFD0] =	vst v1;
	v0 =	vmul.f32 $8.000000000e+00, v0  }
0xd8: {  	[tilespmem:s13+$0x10] =	vst v4;
	v1 =	vld [tilespmem:s15+$0xFFFFFFE0];
	v3 =	vmul.f32 $8.000000000e+00, v3  }
0xd9: {  	v4 =	vmul.f32 $8.000000000e+00, v6;
	v6 =	vld [tilespmem:s15+$0x20];
	[tilespmem:s13+$0x50] =	vst v0  }
0xda: {  	v0 =	vld [tilespmem:s15+$0x60];
	[tilespmem:s13+$0x90] =	vst v3;
	v2 =	vmul.f32 $8.000000000e+00, v2  }
0xdb: {  	[tilespmem:s13+$0xFFFFFF10] =	vst v4;
	v3 =	vmul.f32 $8.000000000e+00, v5;
	v4 =	vld [tilespmem:s15+$0xA0]  }
0xdc: {  	v5 =	vld [tilespmem:s15+$0xFFFFFF20];
	v7 =	vmul.f32 $8.000000000e+00, v7;
	[tilespmem:s13+$0xE0] =	vst v2  }
0xdd: {  	[tilespmem:s13+$0xFFFFFF60] =	vst v3;
	v1 =	vmul.f32 $8.000000000e+00, v1;
	v3 =	vld [tilespmem:s15+$0xF0]  }
0xde: {  	[tilespmem:s13+$0xFFFFFFA0] =	vst v7;
	v2 =	vmul.f32 $8.000000000e+00, v6;
	v8 =	vld [tilespmem:s15+$0xFFFFFF70]  }
0xdf: {  	v7 =	vld [tilespmem:s15+$0xFFFFFFB0];
	[tilespmem:s13+$0xFFFFFFE0] =	vst v1;
	v1 =	vmul.f32 $8.000000000e+00, v0  }
0xe0: {  	[tilespmem:s13+$0x20] =	vst v2;
	v0 =	vld [tilespmem:s15+$0xFFFFFFF0];
	v4 =	vmul.f32 $8.000000000e+00, v4  }
0xe1: {  	v5 =	vmul.f32 $8.000000000e+00, v5;
	v2 =	vld [tilespmem:s15+$0x30];
	[tilespmem:s13+$0x60] =	vst v1  }
0xe2: {  	v1 =	vld [tilespmem:s15+$0x70];
	[tilespmem:s13+$0xA0] =	vst v4;
	v9 =	vmul.f32 $8.000000000e+00, v3  }
0xe3: {  	[tilespmem:s13+$0xFFFFFF20] =	vst v5;
	v3 =	vld [tilespmem:s15+$0xB0];
	v6 =	vmul.f32 $8.000000000e+00, v8  }
0xe4: {  	s14 =	simm.s32 $0x0;
	v4 =	vld [tilespmem:s15+$0xFFFFFF30];
	v5 =	vmul.f32 $8.000000000e+00, v7;
	s15 =	simm.s32 $0xA700;
	[tilespmem:s13+$0xF0] =	vst v9  }
.LBB2_7:
0xe5: {  	v7 =	vld [tilespmem:s15+$0xC0];
	s14 =	sadd.s32 $0x8, s14;
	[tilespmem:s13+$0xFFFFFF70] =	vst v6;
	v0 =	vmul.f32 $8.000000000e+00, v0  }
0xe6: {  	v6 =	vld [tilespmem:s15+$0xFFFFFF40];
	p1 =	slt.u32 s14, $0x78;
	[tilespmem:s13+$0xFFFFFFB0] =	vst v5;
	v2 =	vmul.f32 $8.000000000e+00, v2  }
0xe7: {  	v5 =	vld [tilespmem:s15+$0xFFFFFF80];
	[tilespmem:s13+$0xFFFFFFF0] =	vst v0;
	v0 =	vmul.f32 $8.000000000e+00, v1  }
0xe8: {  	v1 =	vld [tilespmem:s15+$0xFFFFFFC0];
	[tilespmem:s13+$0x30] =	vst v2;
	v2 =	vmul.f32 $8.000000000e+00, v3  }
0xe9: {  	v3 =	vld [tilespmem:s15+$0x0];
	v4 =	vmul.f32 $8.000000000e+00, v4;
	[tilespmem:s13+$0x70] =	vst v0  }
0xea: {  	v0 =	vld [tilespmem:s15+$0x40];
	v7 =	vmul.f32 $8.000000000e+00, v7;
	[tilespmem:s13+$0xB0] =	vst v2  }
0xeb: {  	v2 =	vmul.f32 $8.000000000e+00, v6;
	v6 =	vld [tilespmem:s15+$0x80];
	[tilespmem:s13+$0xFFFFFF30] =	vst v4;
	s13 =	sadd.s32 $0x200, s13  }
0xec: {  	v4 =	vld [tilespmem:s15+$0xFFFFFF00];
	v5 =	vmul.f32 $8.000000000e+00, v5;
	[tilespmem:s13+$0xC0] =	vst v7  }
0xed: {  	[tilespmem:s13+$0xFFFFFF40] =	vst v2;
	v1 =	vmul.f32 $8.000000000e+00, v1;
	v2 =	vld [tilespmem:s15+$0xD0]  }
0xee: {  	v7 =	vld [tilespmem:s15+$0xFFFFFF50];
	[tilespmem:s13+$0xFFFFFF80] =	vst v5;
	v3 =	vmul.f32 $8.000000000e+00, v3  }
0xef: {  	v5 =	vld [tilespmem:s15+$0xFFFFFF90];
	[tilespmem:s13+$0xFFFFFFC0] =	vst v1;
	v0 =	vmul.f32 $8.000000000e+00, v0  }
0xf0: {  	v1 =	vld [tilespmem:s15+$0xFFFFFFD0];
	[tilespmem:s13+$0x0] =	vst v3;
	v3 =	vmul.f32 $8.000000000e+00, v6  }
0xf1: {  	v4 =	vmul.f32 $8.000000000e+00, v4;
	v6 =	vld [tilespmem:s15+$0x10];
	[tilespmem:s13+$0x40] =	vst v0  }
0xf2: {  	v0 =	vld [tilespmem:s15+$0x50];
	[tilespmem:s13+$0x80] =	vst v3;
	v2 =	vmul.f32 $8.000000000e+00, v2  }
0xf3: {  	[tilespmem:s13+$0xFFFFFF00] =	vst v4;
	v3 =	vmul.f32 $8.000000000e+00, v7;
	v4 =	vld [tilespmem:s15+$0x90]  }
0xf4: {  	v7 =	vld [tilespmem:s15+$0xFFFFFF10];
	v5 =	vmul.f32 $8.000000000e+00, v5;
	[tilespmem:s13+$0xD0] =	vst v2  }
0xf5: {  	[tilespmem:s13+$0xFFFFFF50] =	vst v3;
	v1 =	vmul.f32 $8.000000000e+00, v1;
	v2 =	vld [tilespmem:s15+$0xE0]  }
0xf6: {  	v3 =	vld [tilespmem:s15+$0xFFFFFF60];
	[tilespmem:s13+$0xFFFFFF90] =	vst v5;
	v5 =	vmul.f32 $8.000000000e+00, v6  }
0xf7: {  	v6 =	vld [tilespmem:s15+$0xFFFFFFA0];
	[tilespmem:s13+$0xFFFFFFD0] =	vst v1;
	v0 =	vmul.f32 $8.000000000e+00, v0  }
0xf8: {  	v1 =	vld [tilespmem:s15+$0xFFFFFFE0];
	[tilespmem:s13+$0x10] =	vst v5;
	v4 =	vmul.f32 $8.000000000e+00, v4  }
0xf9: {  	v5 =	vmul.f32 $8.000000000e+00, v7;
	v7 =	vld [tilespmem:s15+$0x20];
	[tilespmem:s13+$0x50] =	vst v0  }
0xfa: {  	v0 =	vld [tilespmem:s15+$0x60];
	[tilespmem:s13+$0x90] =	vst v4;
	v2 =	vmul.f32 $8.000000000e+00, v2  }
0xfb: {  	[tilespmem:s13+$0xFFFFFF10] =	vst v5;
	v3 =	vmul.f32 $8.000000000e+00, v3;
	v4 =	vld [tilespmem:s15+$0xA0]  }
0xfc: {  	v5 =	vld [tilespmem:s15+$0xFFFFFF20];
	v6 =	vmul.f32 $8.000000000e+00, v6;
	[tilespmem:s13+$0xE0] =	vst v2  }
0xfd: {  	[tilespmem:s13+$0xFFFFFF60] =	vst v3;
	v1 =	vmul.f32 $8.000000000e+00, v1;
	v3 =	vld [tilespmem:s15+$0xF0]  }
0xfe: {  	v8 =	vld [tilespmem:s15+$0xFFFFFF70];
	[tilespmem:s13+$0xFFFFFFA0] =	vst v6;
	v2 =	vmul.f32 $8.000000000e+00, v7  }
0xff: {  	v7 =	vld [tilespmem:s15+$0xFFFFFFB0];
	[tilespmem:s13+$0xFFFFFFE0] =	vst v1;
	v1 =	vmul.f32 $8.000000000e+00, v0  }
.Ltmp2:
0x100: {  	v0 =	vld [tilespmem:s15+$0xFFFFFFF0];
	[tilespmem:s13+$0x20] =	vst v2;
	v4 =	vmul.f32 $8.000000000e+00, v4;
	(pc) =	sbr.rel @p1 .LBB2_7-.Ltmp2, $4  }
0x101: {  	v5 =	vmul.f32 $8.000000000e+00, v5;
	v2 =	vld [tilespmem:s15+$0x30];
	[tilespmem:s13+$0x60] =	vst v1  }
0x102: {  	v1 =	vld [tilespmem:s15+$0x70];
	[tilespmem:s13+$0xA0] =	vst v4;
	v9 =	vmul.f32 $8.000000000e+00, v3  }
0x103: {  	[tilespmem:s13+$0xFFFFFF20] =	vst v5;
	v6 =	vmul.f32 $8.000000000e+00, v8;
	v3 =	vld [tilespmem:s15+$0xB0]  }
0x104: {  	v4 =	vld [tilespmem:s15+$0xFFFFFF30];
	v5 =	vmul.f32 $8.000000000e+00, v7;
	[tilespmem:s13+$0xF0] =	vst v9;
	s15 =	sadd.s32 $0x200, s15  }
0x105: {  	[tilespmem:s13+$0xFFFFFF70] =	vst v6;
	v0 =	vmul.f32 $8.000000000e+00, v0  }
0x106: {  	[tilespmem:s13+$0xFFFFFFB0] =	vst v5;
	v2 =	vmul.f32 $8.000000000e+00, v2  }
0x107: {  	[tilespmem:s13+$0xFFFFFFF0] =	vst v0;
	v0 =	vmul.f32 $8.000000000e+00, v1  }
0x108: {  	s14 =	sadd.s32 s12, s8;
	[tilespmem:s13+$0x30] =	vst v2;
	v1 =	vmul.f32 $8.000000000e+00, v3  }
0x109: {  	s14 =	sshll.u32 s14, $0x3;
	v2 =	vmul.f32 $8.000000000e+00, v4;
	[tilespmem:s13+$0x70] =	vst v0  }
0x10a: {  	s14 =	sand.u32 $0x1FFFF800, s14;
	[tilespmem:s13+$0xB0] =	vst v1  }
0x10b: {  	s14 =	sadd.s32 s2, s14;
	[tilespmem:s13+$0xFFFFFF30] =	vst v2  }
0x10c: {  	[hbm4b:s14+s3] =	stream.linear.scatter [tilespmem:s29], [sflag:$0x7], $0x2000, $0x38;
	[tilespmem:$0x16400] =	vst v63  }
0x10d: {  	s15 =	sadd.s32 $0x300, s11  }
0x10e: {  	[tilespmem:s20], [sflag:$0x3] =	stream.indirect.gather [hbm4b:s5+s16], $0x40, s15, s16, $0xb8;
	[tilespmem:$0x16400] =	vst v63  }
0x10f: {  	_ =	swait.ge [sflag:s30], $0x2000  }
0x110: {  	[sflag:s30] =	ssyncset.done $0x0  }
0x111: {  	s13 =	simm.s32 @!p0 $0x8;
	[sflag:s30] =	ssyncadd.s32 $0xFFFFE000  }
0x112: {  	_ =	swait.ge @!p0 [sflag:s13], $0x2000  }
0x113: {  	[sflag:s13] =	ssyncset.done @!p0 $0x0  }
0x114: {  	s15 =	simm.s32 $0xC500;
	[sflag:s13] =	ssyncadd.s32 @!p0 $0xFFFFE000  }
0x115: {  	v0 =	vld [tilespmem:s15+$0xC0]  }
0x116: {  	v1 =	vld [tilespmem:s15+$0xFFFFFF40]  }
0x117: {  	v2 =	vld [tilespmem:s15+$0xFFFFFF80]  }
0x118: {  	v3 =	vld [tilespmem:s15+$0xFFFFFFC0]  }
0x119: {  	v4 =	vld [tilespmem:s15+$0x0]  }
0x11a: {  	v5 =	vld [tilespmem:s15+$0x40];
	v0 =	vmul.f32 $8.000000000e+00, v0  }
0x11b: {  	s13 =	simm.s32 $0x14500;
	v6 =	vld [tilespmem:s15+$0x80];
	v1 =	vmul.f32 $8.000000000e+00, v1  }
0x11c: {  	v7 =	vld [tilespmem:s15+$0xFFFFFF00];
	v2 =	vmul.f32 $8.000000000e+00, v2;
	[tilespmem:s13+$0xC0] =	vst v0  }
0x11d: {  	[tilespmem:s13+$0xFFFFFF40] =	vst v1;
	v0 =	vmul.f32 $8.000000000e+00, v3;
	v1 =	vld [tilespmem:s15+$0xD0]  }
0x11e: {  	[tilespmem:s13+$0xFFFFFF80] =	vst v2;
	v2 =	vmul.f32 $8.000000000e+00, v4;
	v3 =	vld [tilespmem:s15+$0xFFFFFF50]  }
0x11f: {  	v4 =	vld [tilespmem:s15+$0xFFFFFF90];
	[tilespmem:s13+$0xFFFFFFC0] =	vst v0;
	v0 =	vmul.f32 $8.000000000e+00, v5  }
0x120: {  	[tilespmem:s13+$0x0] =	vst v2;
	v2 =	vmul.f32 $8.000000000e+00, v6;
	v5 =	vld [tilespmem:s15+$0xFFFFFFD0]  }
0x121: {  	v6 =	vmul.f32 $8.000000000e+00, v7;
	v7 =	vld [tilespmem:s15+$0x10];
	[tilespmem:s13+$0x40] =	vst v0  }
0x122: {  	[tilespmem:s13+$0x80] =	vst v2;
	v0 =	vld [tilespmem:s15+$0x50];
	v1 =	vmul.f32 $8.000000000e+00, v1  }
0x123: {  	[tilespmem:s13+$0xFFFFFF00] =	vst v6;
	v2 =	vmul.f32 $8.000000000e+00, v3;
	v3 =	vld [tilespmem:s15+$0x90]  }
0x124: {  	v6 =	vld [tilespmem:s15+$0xFFFFFF10];
	v4 =	vmul.f32 $8.000000000e+00, v4;
	[tilespmem:s13+$0xD0] =	vst v1  }
0x125: {  	[tilespmem:s13+$0xFFFFFF50] =	vst v2;
	v1 =	vmul.f32 $8.000000000e+00, v5;
	v2 =	vld [tilespmem:s15+$0xE0]  }
0x126: {  	[tilespmem:s13+$0xFFFFFF90] =	vst v4;
	v4 =	vmul.f32 $8.000000000e+00, v7;
	v5 =	vld [tilespmem:s15+$0xFFFFFF60]  }
0x127: {  	v7 =	vld [tilespmem:s15+$0xFFFFFFA0];
	[tilespmem:s13+$0xFFFFFFD0] =	vst v1;
	v0 =	vmul.f32 $8.000000000e+00, v0  }
0x128: {  	[tilespmem:s13+$0x10] =	vst v4;
	v1 =	vld [tilespmem:s15+$0xFFFFFFE0];
	v3 =	vmul.f32 $8.000000000e+00, v3  }
0x129: {  	v4 =	vmul.f32 $8.000000000e+00, v6;
	v6 =	vld [tilespmem:s15+$0x20];
	[tilespmem:s13+$0x50] =	vst v0  }
0x12a: {  	v0 =	vld [tilespmem:s15+$0x60];
	[tilespmem:s13+$0x90] =	vst v3;
	v2 =	vmul.f32 $8.000000000e+00, v2  }
0x12b: {  	[tilespmem:s13+$0xFFFFFF10] =	vst v4;
	v3 =	vmul.f32 $8.000000000e+00, v5;
	v4 =	vld [tilespmem:s15+$0xA0]  }
0x12c: {  	v5 =	vld [tilespmem:s15+$0xFFFFFF20];
	v7 =	vmul.f32 $8.000000000e+00, v7;
	[tilespmem:s13+$0xE0] =	vst v2  }
0x12d: {  	[tilespmem:s13+$0xFFFFFF60] =	vst v3;
	v1 =	vmul.f32 $8.000000000e+00, v1;
	v3 =	vld [tilespmem:s15+$0xF0]  }
0x12e: {  	[tilespmem:s13+$0xFFFFFFA0] =	vst v7;
	v2 =	vmul.f32 $8.000000000e+00, v6;
	v8 =	vld [tilespmem:s15+$0xFFFFFF70]  }
0x12f: {  	v7 =	vld [tilespmem:s15+$0xFFFFFFB0];
	[tilespmem:s13+$0xFFFFFFE0] =	vst v1;
	v1 =	vmul.f32 $8.000000000e+00, v0  }
0x130: {  	[tilespmem:s13+$0x20] =	vst v2;
	v0 =	vld [tilespmem:s15+$0xFFFFFFF0];
	v4 =	vmul.f32 $8.000000000e+00, v4  }
0x131: {  	v5 =	vmul.f32 $8.000000000e+00, v5;
	v2 =	vld [tilespmem:s15+$0x30];
	[tilespmem:s13+$0x60] =	vst v1  }
0x132: {  	v1 =	vld [tilespmem:s15+$0x70];
	[tilespmem:s13+$0xA0] =	vst v4;
	v9 =	vmul.f32 $8.000000000e+00, v3  }
0x133: {  	[tilespmem:s13+$0xFFFFFF20] =	vst v5;
	v3 =	vld [tilespmem:s15+$0xB0];
	v6 =	vmul.f32 $8.000000000e+00, v8  }
0x134: {  	s14 =	simm.s32 $0x0;
	v4 =	vld [tilespmem:s15+$0xFFFFFF30];
	v5 =	vmul.f32 $8.000000000e+00, v7;
	s15 =	simm.s32 $0xC700;
	[tilespmem:s13+$0xF0] =	vst v9  }
.LBB2_9:
0x135: {  	v7 =	vld [tilespmem:s15+$0xC0];
	s14 =	sadd.s32 $0x8, s14;
	[tilespmem:s13+$0xFFFFFF70] =	vst v6;
	v0 =	vmul.f32 $8.000000000e+00, v0  }
0x136: {  	v6 =	vld [tilespmem:s15+$0xFFFFFF40];
	p0 =	slt.u32 s14, $0x78;
	[tilespmem:s13+$0xFFFFFFB0] =	vst v5;
	v2 =	vmul.f32 $8.000000000e+00, v2  }
0x137: {  	v5 =	vld [tilespmem:s15+$0xFFFFFF80];
	[tilespmem:s13+$0xFFFFFFF0] =	vst v0;
	v0 =	vmul.f32 $8.000000000e+00, v1  }
0x138: {  	v1 =	vld [tilespmem:s15+$0xFFFFFFC0];
	[tilespmem:s13+$0x30] =	vst v2;
	v2 =	vmul.f32 $8.000000000e+00, v3  }
0x139: {  	v3 =	vld [tilespmem:s15+$0x0];
	v4 =	vmul.f32 $8.000000000e+00, v4;
	[tilespmem:s13+$0x70] =	vst v0  }
0x13a: {  	v0 =	vld [tilespmem:s15+$0x40];
	v7 =	vmul.f32 $8.000000000e+00, v7;
	[tilespmem:s13+$0xB0] =	vst v2  }
0x13b: {  	v2 =	vmul.f32 $8.000000000e+00, v6;
	v6 =	vld [tilespmem:s15+$0x80];
	[tilespmem:s13+$0xFFFFFF30] =	vst v4;
	s13 =	sadd.s32 $0x200, s13  }
0x13c: {  	v4 =	vld [tilespmem:s15+$0xFFFFFF00];
	v5 =	vmul.f32 $8.000000000e+00, v5;
	[tilespmem:s13+$0xC0] =	vst v7  }
0x13d: {  	[tilespmem:s13+$0xFFFFFF40] =	vst v2;
	v1 =	vmul.f32 $8.000000000e+00, v1;
	v2 =	vld [tilespmem:s15+$0xD0]  }
0x13e: {  	v7 =	vld [tilespmem:s15+$0xFFFFFF50];
	[tilespmem:s13+$0xFFFFFF80] =	vst v5;
	v3 =	vmul.f32 $8.000000000e+00, v3  }
0x13f: {  	v5 =	vld [tilespmem:s15+$0xFFFFFF90];
	[tilespmem:s13+$0xFFFFFFC0] =	vst v1;
	v0 =	vmul.f32 $8.000000000e+00, v0  }
0x140: {  	v1 =	vld [tilespmem:s15+$0xFFFFFFD0];
	[tilespmem:s13+$0x0] =	vst v3;
	v3 =	vmul.f32 $8.000000000e+00, v6  }
0x141: {  	v4 =	vmul.f32 $8.000000000e+00, v4;
	v6 =	vld [tilespmem:s15+$0x10];
	[tilespmem:s13+$0x40] =	vst v0  }
0x142: {  	v0 =	vld [tilespmem:s15+$0x50];
	[tilespmem:s13+$0x80] =	vst v3;
	v2 =	vmul.f32 $8.000000000e+00, v2  }
0x143: {  	[tilespmem:s13+$0xFFFFFF00] =	vst v4;
	v3 =	vmul.f32 $8.000000000e+00, v7;
	v4 =	vld [tilespmem:s15+$0x90]  }
0x144: {  	v7 =	vld [tilespmem:s15+$0xFFFFFF10];
	v5 =	vmul.f32 $8.000000000e+00, v5;
	[tilespmem:s13+$0xD0] =	vst v2  }
0x145: {  	[tilespmem:s13+$0xFFFFFF50] =	vst v3;
	v1 =	vmul.f32 $8.000000000e+00, v1;
	v2 =	vld [tilespmem:s15+$0xE0]  }
0x146: {  	v3 =	vld [tilespmem:s15+$0xFFFFFF60];
	[tilespmem:s13+$0xFFFFFF90] =	vst v5;
	v5 =	vmul.f32 $8.000000000e+00, v6  }
0x147: {  	v6 =	vld [tilespmem:s15+$0xFFFFFFA0];
	[tilespmem:s13+$0xFFFFFFD0] =	vst v1;
	v0 =	vmul.f32 $8.000000000e+00, v0  }
0x148: {  	v1 =	vld [tilespmem:s15+$0xFFFFFFE0];
	[tilespmem:s13+$0x10] =	vst v5;
	v4 =	vmul.f32 $8.000000000e+00, v4  }
0x149: {  	v5 =	vmul.f32 $8.000000000e+00, v7;
	v7 =	vld [tilespmem:s15+$0x20];
	[tilespmem:s13+$0x50] =	vst v0  }
0x14a: {  	v0 =	vld [tilespmem:s15+$0x60];
	[tilespmem:s13+$0x90] =	vst v4;
	v2 =	vmul.f32 $8.000000000e+00, v2  }
0x14b: {  	[tilespmem:s13+$0xFFFFFF10] =	vst v5;
	v3 =	vmul.f32 $8.000000000e+00, v3;
	v4 =	vld [tilespmem:s15+$0xA0]  }
0x14c: {  	v5 =	vld [tilespmem:s15+$0xFFFFFF20];
	v6 =	vmul.f32 $8.000000000e+00, v6;
	[tilespmem:s13+$0xE0] =	vst v2  }
0x14d: {  	[tilespmem:s13+$0xFFFFFF60] =	vst v3;
	v1 =	vmul.f32 $8.000000000e+00, v1;
	v3 =	vld [tilespmem:s15+$0xF0]  }
0x14e: {  	v8 =	vld [tilespmem:s15+$0xFFFFFF70];
	[tilespmem:s13+$0xFFFFFFA0] =	vst v6;
	v2 =	vmul.f32 $8.000000000e+00, v7  }
0x14f: {  	v7 =	vld [tilespmem:s15+$0xFFFFFFB0];
	[tilespmem:s13+$0xFFFFFFE0] =	vst v1;
	v1 =	vmul.f32 $8.000000000e+00, v0  }
.Ltmp3:
0x150: {  	v0 =	vld [tilespmem:s15+$0xFFFFFFF0];
	[tilespmem:s13+$0x20] =	vst v2;
	v4 =	vmul.f32 $8.000000000e+00, v4;
	(pc) =	sbr.rel @p0 .LBB2_9-.Ltmp3, $4  }
0x151: {  	v5 =	vmul.f32 $8.000000000e+00, v5;
	v2 =	vld [tilespmem:s15+$0x30];
	[tilespmem:s13+$0x60] =	vst v1  }
0x152: {  	v1 =	vld [tilespmem:s15+$0x70];
	[tilespmem:s13+$0xA0] =	vst v4;
	v9 =	vmul.f32 $8.000000000e+00, v3  }
0x153: {  	[tilespmem:s13+$0xFFFFFF20] =	vst v5;
	v6 =	vmul.f32 $8.000000000e+00, v8;
	v3 =	vld [tilespmem:s15+$0xB0]  }
0x154: {  	v4 =	vld [tilespmem:s15+$0xFFFFFF30];
	v5 =	vmul.f32 $8.000000000e+00, v7;
	[tilespmem:s13+$0xF0] =	vst v9;
	s15 =	sadd.s32 $0x200, s15  }
0x155: {  	[tilespmem:s13+$0xFFFFFF70] =	vst v6;
	v0 =	vmul.f32 $8.000000000e+00, v0  }
0x156: {  	[tilespmem:s13+$0xFFFFFFB0] =	vst v5;
	v2 =	vmul.f32 $8.000000000e+00, v2  }
0x157: {  	[tilespmem:s13+$0xFFFFFFF0] =	vst v0;
	v61 =	vmul.f32 $8.000000000e+00, v1  }
0x158: {  	s12 =	sadd.s32 s12, s9;
	s10 =	sadd.s32 $0x1, s10;
	[tilespmem:s13+$0x30] =	vst v2;
	v62 =	vmul.f32 $8.000000000e+00, v3  }
0x159: {  	s12 =	sshll.u32 s12, $0x3;
	p0 =	sne.s32 s10, $0x31;
	v63 =	vmul.f32 $8.000000000e+00, v4;
	[tilespmem:s13+$0x70] =	vst v61  }
.Ltmp4:
0x15a: {  	s12 =	sand.u32 $0x1FFFFC00, s12;
	[tilespmem:s13+$0xB0] =	vst v62;
	(pc) =	sbr.rel @p0 .LBB2_2-.Ltmp4, $4  }
0x15b: {  	s12 =	sadd.s32 s2, s12;
	[tilespmem:s13+$0xFFFFFF30] =	vst v63  }
0x15c: {  	[hbm4b:s12+s3] =	stream.linear.scatter [tilespmem:s31], [sflag:$0x8], $0x2000, $0x38;
	[tilespmem:$0x16400] =	vst v63  }
0x15d: {  	s11 =	sadd.s32 $0x380, s11  }
0x15e: {  	[tilespmem:s22], [sflag:$0x4] =	stream.indirect.gather [hbm4b:s5+s16], $0x40, s11, s16, $0xb8;
	[tilespmem:$0x16400] =	vst v63  }
0x15f: {  	_ =	swait.ge [sflag:s23], $0x2000  }
0x160: {  	[sflag:s23] =	ssyncset.done $0x0  }
0x161: {  	[sflag:s23] =	ssyncadd.s32 $0xFFFFE000  }
0x162: {  	_ =	swait.ge [sflag:s1], $0x2000  }
0x163: {  	[sflag:s1] =	ssyncset.done $0x0  }
0x164: {  	s12 =	simm.s32 $0x6500;
	[sflag:s1] =	ssyncadd.s32 $0xFFFFE000  }
0x165: {  	v0 =	vld [tilespmem:s12+$0xC0]  }
0x166: {  	v1 =	vld [tilespmem:s12+$0xFFFFFF40]  }
0x167: {  	v2 =	vld [tilespmem:s12+$0xFFFFFF80]  }
0x168: {  	v3 =	vld [tilespmem:s12+$0xFFFFFFC0]  }
0x169: {  	v4 =	vld [tilespmem:s12+$0x0]  }
0x16a: {  	v5 =	vld [tilespmem:s12+$0x40];
	v0 =	vmul.f32 $8.000000000e+00, v0  }
0x16b: {  	s10 =	simm.s32 $0xE500;
	v6 =	vld [tilespmem:s12+$0x80];
	v1 =	vmul.f32 $8.000000000e+00, v1  }
0x16c: {  	v7 =	vld [tilespmem:s12+$0xFFFFFF00];
	v2 =	vmul.f32 $8.000000000e+00, v2;
	[tilespmem:s10+$0xC0] =	vst v0  }
0x16d: {  	[tilespmem:s10+$0xFFFFFF40] =	vst v1;
	v0 =	vmul.f32 $8.000000000e+00, v3;
	v1 =	vld [tilespmem:s12+$0xD0]  }
0x16e: {  	[tilespmem:s10+$0xFFFFFF80] =	vst v2;
	v2 =	vmul.f32 $8.000000000e+00, v4;
	v3 =	vld [tilespmem:s12+$0xFFFFFF50]  }
0x16f: {  	v4 =	vld [tilespmem:s12+$0xFFFFFF90];
	[tilespmem:s10+$0xFFFFFFC0] =	vst v0;
	v0 =	vmul.f32 $8.000000000e+00, v5  }
0x170: {  	[tilespmem:s10+$0x0] =	vst v2;
	v2 =	vmul.f32 $8.000000000e+00, v6;
	v5 =	vld [tilespmem:s12+$0xFFFFFFD0]  }
0x171: {  	v6 =	vmul.f32 $8.000000000e+00, v7;
	v7 =	vld [tilespmem:s12+$0x10];
	[tilespmem:s10+$0x40] =	vst v0  }
0x172: {  	[tilespmem:s10+$0x80] =	vst v2;
	v0 =	vld [tilespmem:s12+$0x50];
	v1 =	vmul.f32 $8.000000000e+00, v1  }
0x173: {  	[tilespmem:s10+$0xFFFFFF00] =	vst v6;
	v2 =	vmul.f32 $8.000000000e+00, v3;
	v3 =	vld [tilespmem:s12+$0x90]  }
0x174: {  	v6 =	vld [tilespmem:s12+$0xFFFFFF10];
	v4 =	vmul.f32 $8.000000000e+00, v4;
	[tilespmem:s10+$0xD0] =	vst v1  }
0x175: {  	[tilespmem:s10+$0xFFFFFF50] =	vst v2;
	v1 =	vmul.f32 $8.000000000e+00, v5;
	v2 =	vld [tilespmem:s12+$0xE0]  }
0x176: {  	[tilespmem:s10+$0xFFFFFF90] =	vst v4;
	v4 =	vmul.f32 $8.000000000e+00, v7;
	v5 =	vld [tilespmem:s12+$0xFFFFFF60]  }
0x177: {  	v7 =	vld [tilespmem:s12+$0xFFFFFFA0];
	[tilespmem:s10+$0xFFFFFFD0] =	vst v1;
	v0 =	vmul.f32 $8.000000000e+00, v0  }
0x178: {  	[tilespmem:s10+$0x10] =	vst v4;
	v1 =	vld [tilespmem:s12+$0xFFFFFFE0];
	v3 =	vmul.f32 $8.000000000e+00, v3  }
0x179: {  	v4 =	vmul.f32 $8.000000000e+00, v6;
	v6 =	vld [tilespmem:s12+$0x20];
	[tilespmem:s10+$0x50] =	vst v0  }
0x17a: {  	v0 =	vld [tilespmem:s12+$0x60];
	[tilespmem:s10+$0x90] =	vst v3;
	v2 =	vmul.f32 $8.000000000e+00, v2  }
0x17b: {  	[tilespmem:s10+$0xFFFFFF10] =	vst v4;
	v3 =	vmul.f32 $8.000000000e+00, v5;
	v4 =	vld [tilespmem:s12+$0xA0]  }
0x17c: {  	v5 =	vld [tilespmem:s12+$0xFFFFFF20];
	v7 =	vmul.f32 $8.000000000e+00, v7;
	[tilespmem:s10+$0xE0] =	vst v2  }
0x17d: {  	[tilespmem:s10+$0xFFFFFF60] =	vst v3;
	v1 =	vmul.f32 $8.000000000e+00, v1;
	v3 =	vld [tilespmem:s12+$0xF0]  }
0x17e: {  	[tilespmem:s10+$0xFFFFFFA0] =	vst v7;
	v2 =	vmul.f32 $8.000000000e+00, v6;
	v8 =	vld [tilespmem:s12+$0xFFFFFF70]  }
0x17f: {  	v7 =	vld [tilespmem:s12+$0xFFFFFFB0];
	[tilespmem:s10+$0xFFFFFFE0] =	vst v1;
	v1 =	vmul.f32 $8.000000000e+00, v0  }
0x180: {  	[tilespmem:s10+$0x20] =	vst v2;
	v0 =	vld [tilespmem:s12+$0xFFFFFFF0];
	v4 =	vmul.f32 $8.000000000e+00, v4  }
0x181: {  	v5 =	vmul.f32 $8.000000000e+00, v5;
	v2 =	vld [tilespmem:s12+$0x30];
	[tilespmem:s10+$0x60] =	vst v1  }
0x182: {  	v1 =	vld [tilespmem:s12+$0x70];
	[tilespmem:s10+$0xA0] =	vst v4;
	v9 =	vmul.f32 $8.000000000e+00, v3  }
0x183: {  	[tilespmem:s10+$0xFFFFFF20] =	vst v5;
	v3 =	vld [tilespmem:s12+$0xB0];
	v6 =	vmul.f32 $8.000000000e+00, v8  }
0x184: {  	s11 =	simm.s32 $0x0;
	v4 =	vld [tilespmem:s12+$0xFFFFFF30];
	v5 =	vmul.f32 $8.000000000e+00, v7;
	s12 =	simm.s32 $0x6700;
	[tilespmem:s10+$0xF0] =	vst v9  }
.LBB2_12:
0x185: {  	v7 =	vld [tilespmem:s12+$0xC0];
	s11 =	sadd.s32 $0x8, s11;
	[tilespmem:s10+$0xFFFFFF70] =	vst v6;
	v0 =	vmul.f32 $8.000000000e+00, v0  }
0x186: {  	v6 =	vld [tilespmem:s12+$0xFFFFFF40];
	p0 =	slt.u32 s11, $0x78;
	[tilespmem:s10+$0xFFFFFFB0] =	vst v5;
	v2 =	vmul.f32 $8.000000000e+00, v2  }
0x187: {  	v5 =	vld [tilespmem:s12+$0xFFFFFF80];
	[tilespmem:s10+$0xFFFFFFF0] =	vst v0;
	v0 =	vmul.f32 $8.000000000e+00, v1  }
0x188: {  	v1 =	vld [tilespmem:s12+$0xFFFFFFC0];
	[tilespmem:s10+$0x30] =	vst v2;
	v2 =	vmul.f32 $8.000000000e+00, v3  }
0x189: {  	v3 =	vld [tilespmem:s12+$0x0];
	v4 =	vmul.f32 $8.000000000e+00, v4;
	[tilespmem:s10+$0x70] =	vst v0  }
0x18a: {  	v0 =	vld [tilespmem:s12+$0x40];
	v7 =	vmul.f32 $8.000000000e+00, v7;
	[tilespmem:s10+$0xB0] =	vst v2  }
0x18b: {  	v2 =	vmul.f32 $8.000000000e+00, v6;
	v6 =	vld [tilespmem:s12+$0x80];
	[tilespmem:s10+$0xFFFFFF30] =	vst v4;
	s10 =	sadd.s32 $0x200, s10  }
0x18c: {  	v4 =	vld [tilespmem:s12+$0xFFFFFF00];
	v5 =	vmul.f32 $8.000000000e+00, v5;
	[tilespmem:s10+$0xC0] =	vst v7  }
0x18d: {  	[tilespmem:s10+$0xFFFFFF40] =	vst v2;
	v1 =	vmul.f32 $8.000000000e+00, v1;
	v2 =	vld [tilespmem:s12+$0xD0]  }
0x18e: {  	v7 =	vld [tilespmem:s12+$0xFFFFFF50];
	[tilespmem:s10+$0xFFFFFF80] =	vst v5;
	v3 =	vmul.f32 $8.000000000e+00, v3  }
0x18f: {  	v5 =	vld [tilespmem:s12+$0xFFFFFF90];
	[tilespmem:s10+$0xFFFFFFC0] =	vst v1;
	v0 =	vmul.f32 $8.000000000e+00, v0  }
0x190: {  	v1 =	vld [tilespmem:s12+$0xFFFFFFD0];
	[tilespmem:s10+$0x0] =	vst v3;
	v3 =	vmul.f32 $8.000000000e+00, v6  }
0x191: {  	v4 =	vmul.f32 $8.000000000e+00, v4;
	v6 =	vld [tilespmem:s12+$0x10];
	[tilespmem:s10+$0x40] =	vst v0  }
0x192: {  	v0 =	vld [tilespmem:s12+$0x50];
	[tilespmem:s10+$0x80] =	vst v3;
	v2 =	vmul.f32 $8.000000000e+00, v2  }
0x193: {  	[tilespmem:s10+$0xFFFFFF00] =	vst v4;
	v3 =	vmul.f32 $8.000000000e+00, v7;
	v4 =	vld [tilespmem:s12+$0x90]  }
0x194: {  	v7 =	vld [tilespmem:s12+$0xFFFFFF10];
	v5 =	vmul.f32 $8.000000000e+00, v5;
	[tilespmem:s10+$0xD0] =	vst v2  }
0x195: {  	[tilespmem:s10+$0xFFFFFF50] =	vst v3;
	v1 =	vmul.f32 $8.000000000e+00, v1;
	v2 =	vld [tilespmem:s12+$0xE0]  }
0x196: {  	v3 =	vld [tilespmem:s12+$0xFFFFFF60];
	[tilespmem:s10+$0xFFFFFF90] =	vst v5;
	v5 =	vmul.f32 $8.000000000e+00, v6  }
0x197: {  	v6 =	vld [tilespmem:s12+$0xFFFFFFA0];
	[tilespmem:s10+$0xFFFFFFD0] =	vst v1;
	v0 =	vmul.f32 $8.000000000e+00, v0  }
0x198: {  	v1 =	vld [tilespmem:s12+$0xFFFFFFE0];
	[tilespmem:s10+$0x10] =	vst v5;
	v4 =	vmul.f32 $8.000000000e+00, v4  }
0x199: {  	v5 =	vmul.f32 $8.000000000e+00, v7;
	v7 =	vld [tilespmem:s12+$0x20];
	[tilespmem:s10+$0x50] =	vst v0  }
0x19a: {  	v0 =	vld [tilespmem:s12+$0x60];
	[tilespmem:s10+$0x90] =	vst v4;
	v2 =	vmul.f32 $8.000000000e+00, v2  }
0x19b: {  	[tilespmem:s10+$0xFFFFFF10] =	vst v5;
	v3 =	vmul.f32 $8.000000000e+00, v3;
	v4 =	vld [tilespmem:s12+$0xA0]  }
0x19c: {  	v5 =	vld [tilespmem:s12+$0xFFFFFF20];
	v6 =	vmul.f32 $8.000000000e+00, v6;
	[tilespmem:s10+$0xE0] =	vst v2  }
0x19d: {  	[tilespmem:s10+$0xFFFFFF60] =	vst v3;
	v1 =	vmul.f32 $8.000000000e+00, v1;
	v3 =	vld [tilespmem:s12+$0xF0]  }
0x19e: {  	v8 =	vld [tilespmem:s12+$0xFFFFFF70];
	[tilespmem:s10+$0xFFFFFFA0] =	vst v6;
	v2 =	vmul.f32 $8.000000000e+00, v7  }
0x19f: {  	v7 =	vld [tilespmem:s12+$0xFFFFFFB0];
	[tilespmem:s10+$0xFFFFFFE0] =	vst v1;
	v1 =	vmul.f32 $8.000000000e+00, v0  }
.Ltmp5:
0x1a0: {  	v0 =	vld [tilespmem:s12+$0xFFFFFFF0];
	[tilespmem:s10+$0x20] =	vst v2;
	v4 =	vmul.f32 $8.000000000e+00, v4;
	(pc) =	sbr.rel @p0 .LBB2_12-.Ltmp5, $4  }
0x1a1: {  	v5 =	vmul.f32 $8.000000000e+00, v5;
	v2 =	vld [tilespmem:s12+$0x30];
	[tilespmem:s10+$0x60] =	vst v1  }
0x1a2: {  	v1 =	vld [tilespmem:s12+$0x70];
	[tilespmem:s10+$0xA0] =	vst v4;
	v9 =	vmul.f32 $8.000000000e+00, v3  }
0x1a3: {  	[tilespmem:s10+$0xFFFFFF20] =	vst v5;
	v6 =	vmul.f32 $8.000000000e+00, v8;
	v3 =	vld [tilespmem:s12+$0xB0]  }
0x1a4: {  	v4 =	vld [tilespmem:s12+$0xFFFFFF30];
	v5 =	vmul.f32 $8.000000000e+00, v7;
	[tilespmem:s10+$0xF0] =	vst v9;
	s12 =	sadd.s32 $0x200, s12  }
0x1a5: {  	[tilespmem:s10+$0xFFFFFF70] =	vst v6;
	v0 =	vmul.f32 $8.000000000e+00, v0  }
0x1a6: {  	[tilespmem:s10+$0xFFFFFFB0] =	vst v5;
	v2 =	vmul.f32 $8.000000000e+00, v2  }
0x1a7: {  	[tilespmem:s10+$0xFFFFFFF0] =	vst v0;
	v0 =	vmul.f32 $8.000000000e+00, v1  }
0x1a8: {  	[tilespmem:s10+$0x30] =	vst v2;
	v1 =	vmul.f32 $8.000000000e+00, v3  }
0x1a9: {  	v2 =	vmul.f32 $8.000000000e+00, v4;
	[tilespmem:s10+$0x70] =	vst v0  }
0x1aa: {  	[tilespmem:s10+$0xB0] =	vst v1  }
0x1ab: {  	[tilespmem:s10+$0xFFFFFF30] =	vst v2  }
0x1ac: {  	s10 =	rddreg [dreg:$0x4]  }
0x1ad: {  	[hbm4b:s10+s3] =	stream.linear.scatter [tilespmem:s24], [sflag:$0x5], $0x2000, $0x38;
	[tilespmem:$0x16400] =	vst v63  }
0x1ae: {  	_ =	swait.ge [sflag:s25], $0x2000  }
0x1af: {  	[sflag:s25] =	ssyncset.done $0x0  }
0x1b0: {  	[sflag:s25] =	ssyncadd.s32 $0xFFFFE000  }
0x1b1: {  	_ =	swait.ge [sflag:s0], $0x2000  }
0x1b2: {  	[sflag:s0] =	ssyncset.done $0x0  }
0x1b3: {  	s12 =	simm.s32 $0x8500;
	[sflag:s0] =	ssyncadd.s32 $0xFFFFE000  }
0x1b4: {  	v0 =	vld [tilespmem:s12+$0xC0]  }
0x1b5: {  	v1 =	vld [tilespmem:s12+$0xFFFFFF40]  }
0x1b6: {  	v2 =	vld [tilespmem:s12+$0xFFFFFF80]  }
0x1b7: {  	v3 =	vld [tilespmem:s12+$0xFFFFFFC0]  }
0x1b8: {  	v4 =	vld [tilespmem:s12+$0x0]  }
0x1b9: {  	v5 =	vld [tilespmem:s12+$0x40];
	v0 =	vmul.f32 $8.000000000e+00, v0  }
0x1ba: {  	s10 =	simm.s32 $0x10500;
	v6 =	vld [tilespmem:s12+$0x80];
	v1 =	vmul.f32 $8.000000000e+00, v1  }
0x1bb: {  	v7 =	vld [tilespmem:s12+$0xFFFFFF00];
	v2 =	vmul.f32 $8.000000000e+00, v2;
	[tilespmem:s10+$0xC0] =	vst v0  }
0x1bc: {  	[tilespmem:s10+$0xFFFFFF40] =	vst v1;
	v0 =	vmul.f32 $8.000000000e+00, v3;
	v1 =	vld [tilespmem:s12+$0xD0]  }
0x1bd: {  	[tilespmem:s10+$0xFFFFFF80] =	vst v2;
	v2 =	vmul.f32 $8.000000000e+00, v4;
	v3 =	vld [tilespmem:s12+$0xFFFFFF50]  }
0x1be: {  	v4 =	vld [tilespmem:s12+$0xFFFFFF90];
	[tilespmem:s10+$0xFFFFFFC0] =	vst v0;
	v0 =	vmul.f32 $8.000000000e+00, v5  }
0x1bf: {  	[tilespmem:s10+$0x0] =	vst v2;
	v2 =	vmul.f32 $8.000000000e+00, v6;
	v5 =	vld [tilespmem:s12+$0xFFFFFFD0]  }
0x1c0: {  	v6 =	vmul.f32 $8.000000000e+00, v7;
	v7 =	vld [tilespmem:s12+$0x10];
	[tilespmem:s10+$0x40] =	vst v0  }
0x1c1: {  	[tilespmem:s10+$0x80] =	vst v2;
	v0 =	vld [tilespmem:s12+$0x50];
	v1 =	vmul.f32 $8.000000000e+00, v1  }
0x1c2: {  	[tilespmem:s10+$0xFFFFFF00] =	vst v6;
	v2 =	vmul.f32 $8.000000000e+00, v3;
	v3 =	vld [tilespmem:s12+$0x90]  }
0x1c3: {  	v6 =	vld [tilespmem:s12+$0xFFFFFF10];
	v4 =	vmul.f32 $8.000000000e+00, v4;
	[tilespmem:s10+$0xD0] =	vst v1  }
0x1c4: {  	[tilespmem:s10+$0xFFFFFF50] =	vst v2;
	v1 =	vmul.f32 $8.000000000e+00, v5;
	v2 =	vld [tilespmem:s12+$0xE0]  }
0x1c5: {  	[tilespmem:s10+$0xFFFFFF90] =	vst v4;
	v4 =	vmul.f32 $8.000000000e+00, v7;
	v5 =	vld [tilespmem:s12+$0xFFFFFF60]  }
0x1c6: {  	v7 =	vld [tilespmem:s12+$0xFFFFFFA0];
	[tilespmem:s10+$0xFFFFFFD0] =	vst v1;
	v0 =	vmul.f32 $8.000000000e+00, v0  }
0x1c7: {  	[tilespmem:s10+$0x10] =	vst v4;
	v1 =	vld [tilespmem:s12+$0xFFFFFFE0];
	v3 =	vmul.f32 $8.000000000e+00, v3  }
0x1c8: {  	v4 =	vmul.f32 $8.000000000e+00, v6;
	v6 =	vld [tilespmem:s12+$0x20];
	[tilespmem:s10+$0x50] =	vst v0  }
0x1c9: {  	v0 =	vld [tilespmem:s12+$0x60];
	[tilespmem:s10+$0x90] =	vst v3;
	v2 =	vmul.f32 $8.000000000e+00, v2  }
0x1ca: {  	[tilespmem:s10+$0xFFFFFF10] =	vst v4;
	v3 =	vmul.f32 $8.000000000e+00, v5;
	v4 =	vld [tilespmem:s12+$0xA0]  }
0x1cb: {  	v5 =	vld [tilespmem:s12+$0xFFFFFF20];
	v7 =	vmul.f32 $8.000000000e+00, v7;
	[tilespmem:s10+$0xE0] =	vst v2  }
0x1cc: {  	[tilespmem:s10+$0xFFFFFF60] =	vst v3;
	v1 =	vmul.f32 $8.000000000e+00, v1;
	v3 =	vld [tilespmem:s12+$0xF0]  }
0x1cd: {  	[tilespmem:s10+$0xFFFFFFA0] =	vst v7;
	v2 =	vmul.f32 $8.000000000e+00, v6;
	v8 =	vld [tilespmem:s12+$0xFFFFFF70]  }
0x1ce: {  	v7 =	vld [tilespmem:s12+$0xFFFFFFB0];
	[tilespmem:s10+$0xFFFFFFE0] =	vst v1;
	v1 =	vmul.f32 $8.000000000e+00, v0  }
0x1cf: {  	[tilespmem:s10+$0x20] =	vst v2;
	v0 =	vld [tilespmem:s12+$0xFFFFFFF0];
	v4 =	vmul.f32 $8.000000000e+00, v4  }
0x1d0: {  	v5 =	vmul.f32 $8.000000000e+00, v5;
	v2 =	vld [tilespmem:s12+$0x30];
	[tilespmem:s10+$0x60] =	vst v1  }
0x1d1: {  	v1 =	vld [tilespmem:s12+$0x70];
	[tilespmem:s10+$0xA0] =	vst v4;
	v9 =	vmul.f32 $8.000000000e+00, v3  }
0x1d2: {  	[tilespmem:s10+$0xFFFFFF20] =	vst v5;
	v3 =	vld [tilespmem:s12+$0xB0];
	v6 =	vmul.f32 $8.000000000e+00, v8  }
0x1d3: {  	s11 =	simm.s32 $0x0;
	v4 =	vld [tilespmem:s12+$0xFFFFFF30];
	v5 =	vmul.f32 $8.000000000e+00, v7;
	s12 =	simm.s32 $0x8700;
	[tilespmem:s10+$0xF0] =	vst v9  }
.LBB2_14:
0x1d4: {  	v7 =	vld [tilespmem:s12+$0xC0];
	s11 =	sadd.s32 $0x8, s11;
	[tilespmem:s10+$0xFFFFFF70] =	vst v6;
	v0 =	vmul.f32 $8.000000000e+00, v0  }
0x1d5: {  	v6 =	vld [tilespmem:s12+$0xFFFFFF40];
	p0 =	slt.u32 s11, $0x78;
	[tilespmem:s10+$0xFFFFFFB0] =	vst v5;
	v2 =	vmul.f32 $8.000000000e+00, v2  }
0x1d6: {  	v5 =	vld [tilespmem:s12+$0xFFFFFF80];
	[tilespmem:s10+$0xFFFFFFF0] =	vst v0;
	v0 =	vmul.f32 $8.000000000e+00, v1  }
0x1d7: {  	v1 =	vld [tilespmem:s12+$0xFFFFFFC0];
	[tilespmem:s10+$0x30] =	vst v2;
	v2 =	vmul.f32 $8.000000000e+00, v3  }
0x1d8: {  	v3 =	vld [tilespmem:s12+$0x0];
	v4 =	vmul.f32 $8.000000000e+00, v4;
	[tilespmem:s10+$0x70] =	vst v0  }
0x1d9: {  	v0 =	vld [tilespmem:s12+$0x40];
	v7 =	vmul.f32 $8.000000000e+00, v7;
	[tilespmem:s10+$0xB0] =	vst v2  }
0x1da: {  	v2 =	vmul.f32 $8.000000000e+00, v6;
	v6 =	vld [tilespmem:s12+$0x80];
	[tilespmem:s10+$0xFFFFFF30] =	vst v4;
	s10 =	sadd.s32 $0x200, s10  }
0x1db: {  	v4 =	vld [tilespmem:s12+$0xFFFFFF00];
	v5 =	vmul.f32 $8.000000000e+00, v5;
	[tilespmem:s10+$0xC0] =	vst v7  }
0x1dc: {  	[tilespmem:s10+$0xFFFFFF40] =	vst v2;
	v1 =	vmul.f32 $8.000000000e+00, v1;
	v2 =	vld [tilespmem:s12+$0xD0]  }
0x1dd: {  	v7 =	vld [tilespmem:s12+$0xFFFFFF50];
	[tilespmem:s10+$0xFFFFFF80] =	vst v5;
	v3 =	vmul.f32 $8.000000000e+00, v3  }
0x1de: {  	v5 =	vld [tilespmem:s12+$0xFFFFFF90];
	[tilespmem:s10+$0xFFFFFFC0] =	vst v1;
	v0 =	vmul.f32 $8.000000000e+00, v0  }
0x1df: {  	v1 =	vld [tilespmem:s12+$0xFFFFFFD0];
	[tilespmem:s10+$0x0] =	vst v3;
	v3 =	vmul.f32 $8.000000000e+00, v6  }
0x1e0: {  	v4 =	vmul.f32 $8.000000000e+00, v4;
	v6 =	vld [tilespmem:s12+$0x10];
	[tilespmem:s10+$0x40] =	vst v0  }
0x1e1: {  	v0 =	vld [tilespmem:s12+$0x50];
	[tilespmem:s10+$0x80] =	vst v3;
	v2 =	vmul.f32 $8.000000000e+00, v2  }
0x1e2: {  	[tilespmem:s10+$0xFFFFFF00] =	vst v4;
	v3 =	vmul.f32 $8.000000000e+00, v7;
	v4 =	vld [tilespmem:s12+$0x90]  }
0x1e3: {  	v7 =	vld [tilespmem:s12+$0xFFFFFF10];
	v5 =	vmul.f32 $8.000000000e+00, v5;
	[tilespmem:s10+$0xD0] =	vst v2  }
0x1e4: {  	[tilespmem:s10+$0xFFFFFF50] =	vst v3;
	v1 =	vmul.f32 $8.000000000e+00, v1;
	v2 =	vld [tilespmem:s12+$0xE0]  }
0x1e5: {  	v3 =	vld [tilespmem:s12+$0xFFFFFF60];
	[tilespmem:s10+$0xFFFFFF90] =	vst v5;
	v5 =	vmul.f32 $8.000000000e+00, v6  }
0x1e6: {  	v6 =	vld [tilespmem:s12+$0xFFFFFFA0];
	[tilespmem:s10+$0xFFFFFFD0] =	vst v1;
	v0 =	vmul.f32 $8.000000000e+00, v0  }
0x1e7: {  	v1 =	vld [tilespmem:s12+$0xFFFFFFE0];
	[tilespmem:s10+$0x10] =	vst v5;
	v4 =	vmul.f32 $8.000000000e+00, v4  }
0x1e8: {  	v5 =	vmul.f32 $8.000000000e+00, v7;
	v7 =	vld [tilespmem:s12+$0x20];
	[tilespmem:s10+$0x50] =	vst v0  }
0x1e9: {  	v0 =	vld [tilespmem:s12+$0x60];
	[tilespmem:s10+$0x90] =	vst v4;
	v2 =	vmul.f32 $8.000000000e+00, v2  }
0x1ea: {  	[tilespmem:s10+$0xFFFFFF10] =	vst v5;
	v3 =	vmul.f32 $8.000000000e+00, v3;
	v4 =	vld [tilespmem:s12+$0xA0]  }
0x1eb: {  	v5 =	vld [tilespmem:s12+$0xFFFFFF20];
	v6 =	vmul.f32 $8.000000000e+00, v6;
	[tilespmem:s10+$0xE0] =	vst v2  }
0x1ec: {  	[tilespmem:s10+$0xFFFFFF60] =	vst v3;
	v1 =	vmul.f32 $8.000000000e+00, v1;
	v3 =	vld [tilespmem:s12+$0xF0]  }
0x1ed: {  	v8 =	vld [tilespmem:s12+$0xFFFFFF70];
	[tilespmem:s10+$0xFFFFFFA0] =	vst v6;
	v2 =	vmul.f32 $8.000000000e+00, v7  }
0x1ee: {  	v7 =	vld [tilespmem:s12+$0xFFFFFFB0];
	[tilespmem:s10+$0xFFFFFFE0] =	vst v1;
	v1 =	vmul.f32 $8.000000000e+00, v0  }
.Ltmp6:
0x1ef: {  	v0 =	vld [tilespmem:s12+$0xFFFFFFF0];
	[tilespmem:s10+$0x20] =	vst v2;
	v4 =	vmul.f32 $8.000000000e+00, v4;
	(pc) =	sbr.rel @p0 .LBB2_14-.Ltmp6, $4  }
0x1f0: {  	v5 =	vmul.f32 $8.000000000e+00, v5;
	v2 =	vld [tilespmem:s12+$0x30];
	[tilespmem:s10+$0x60] =	vst v1  }
0x1f1: {  	v1 =	vld [tilespmem:s12+$0x70];
	[tilespmem:s10+$0xA0] =	vst v4;
	v9 =	vmul.f32 $8.000000000e+00, v3  }
0x1f2: {  	[tilespmem:s10+$0xFFFFFF20] =	vst v5;
	v6 =	vmul.f32 $8.000000000e+00, v8;
	v3 =	vld [tilespmem:s12+$0xB0]  }
0x1f3: {  	v4 =	vld [tilespmem:s12+$0xFFFFFF30];
	v5 =	vmul.f32 $8.000000000e+00, v7;
	[tilespmem:s10+$0xF0] =	vst v9;
	s12 =	sadd.s32 $0x200, s12  }
0x1f4: {  	[tilespmem:s10+$0xFFFFFF70] =	vst v6;
	v0 =	vmul.f32 $8.000000000e+00, v0  }
0x1f5: {  	[tilespmem:s10+$0xFFFFFFB0] =	vst v5;
	v2 =	vmul.f32 $8.000000000e+00, v2  }
0x1f6: {  	[tilespmem:s10+$0xFFFFFFF0] =	vst v0;
	v0 =	vmul.f32 $8.000000000e+00, v1  }
0x1f7: {  	[tilespmem:s10+$0x30] =	vst v2;
	v1 =	vmul.f32 $8.000000000e+00, v3  }
0x1f8: {  	v2 =	vmul.f32 $8.000000000e+00, v4;
	[tilespmem:s10+$0x70] =	vst v0  }
0x1f9: {  	[tilespmem:s10+$0xB0] =	vst v1  }
0x1fa: {  	[tilespmem:s10+$0xFFFFFF30] =	vst v2  }
0x1fb: {  	s10 =	rddreg [dreg:$0x5]  }
0x1fc: {  	[hbm4b:s10+s3] =	stream.linear.scatter [tilespmem:s26], [sflag:$0x6], $0x2000, $0x38;
	[tilespmem:$0x16400] =	vst v63  }
0x1fd: {  	_ =	swait.ge [sflag:s28], $0x2000  }
0x1fe: {  	[sflag:s28] =	ssyncset.done $0x0  }
0x1ff: {  	[sflag:s28] =	ssyncadd.s32 $0xFFFFE000  }
0x200: {  	_ =	swait.ge [sflag:s19], $0x2000  }
0x201: {  	[sflag:s19] =	ssyncset.done $0x0  }
0x202: {  	s12 =	simm.s32 $0xA500;
	[sflag:s19] =	ssyncadd.s32 $0xFFFFE000  }
0x203: {  	v0 =	vld [tilespmem:s12+$0xC0]  }
0x204: {  	v1 =	vld [tilespmem:s12+$0xFFFFFF40]  }
0x205: {  	v2 =	vld [tilespmem:s12+$0xFFFFFF80]  }
0x206: {  	v3 =	vld [tilespmem:s12+$0xFFFFFFC0]  }
0x207: {  	v4 =	vld [tilespmem:s12+$0x0]  }
0x208: {  	v5 =	vld [tilespmem:s12+$0x40];
	v0 =	vmul.f32 $8.000000000e+00, v0  }
0x209: {  	s10 =	simm.s32 $0x12500;
	v6 =	vld [tilespmem:s12+$0x80];
	v1 =	vmul.f32 $8.000000000e+00, v1  }
0x20a: {  	v7 =	vld [tilespmem:s12+$0xFFFFFF00];
	v2 =	vmul.f32 $8.000000000e+00, v2;
	[tilespmem:s10+$0xC0] =	vst v0  }
0x20b: {  	[tilespmem:s10+$0xFFFFFF40] =	vst v1;
	v0 =	vmul.f32 $8.000000000e+00, v3;
	v1 =	vld [tilespmem:s12+$0xD0]  }
0x20c: {  	[tilespmem:s10+$0xFFFFFF80] =	vst v2;
	v2 =	vmul.f32 $8.000000000e+00, v4;
	v3 =	vld [tilespmem:s12+$0xFFFFFF50]  }
0x20d: {  	v4 =	vld [tilespmem:s12+$0xFFFFFF90];
	[tilespmem:s10+$0xFFFFFFC0] =	vst v0;
	v0 =	vmul.f32 $8.000000000e+00, v5  }
0x20e: {  	[tilespmem:s10+$0x0] =	vst v2;
	v2 =	vmul.f32 $8.000000000e+00, v6;
	v5 =	vld [tilespmem:s12+$0xFFFFFFD0]  }
0x20f: {  	v6 =	vmul.f32 $8.000000000e+00, v7;
	v7 =	vld [tilespmem:s12+$0x10];
	[tilespmem:s10+$0x40] =	vst v0  }
0x210: {  	[tilespmem:s10+$0x80] =	vst v2;
	v0 =	vld [tilespmem:s12+$0x50];
	v1 =	vmul.f32 $8.000000000e+00, v1  }
0x211: {  	[tilespmem:s10+$0xFFFFFF00] =	vst v6;
	v2 =	vmul.f32 $8.000000000e+00, v3;
	v3 =	vld [tilespmem:s12+$0x90]  }
0x212: {  	v6 =	vld [tilespmem:s12+$0xFFFFFF10];
	v4 =	vmul.f32 $8.000000000e+00, v4;
	[tilespmem:s10+$0xD0] =	vst v1  }
0x213: {  	[tilespmem:s10+$0xFFFFFF50] =	vst v2;
	v1 =	vmul.f32 $8.000000000e+00, v5;
	v2 =	vld [tilespmem:s12+$0xE0]  }
0x214: {  	[tilespmem:s10+$0xFFFFFF90] =	vst v4;
	v4 =	vmul.f32 $8.000000000e+00, v7;
	v5 =	vld [tilespmem:s12+$0xFFFFFF60]  }
0x215: {  	v7 =	vld [tilespmem:s12+$0xFFFFFFA0];
	[tilespmem:s10+$0xFFFFFFD0] =	vst v1;
	v0 =	vmul.f32 $8.000000000e+00, v0  }
0x216: {  	[tilespmem:s10+$0x10] =	vst v4;
	v1 =	vld [tilespmem:s12+$0xFFFFFFE0];
	v3 =	vmul.f32 $8.000000000e+00, v3  }
0x217: {  	v4 =	vmul.f32 $8.000000000e+00, v6;
	v6 =	vld [tilespmem:s12+$0x20];
	[tilespmem:s10+$0x50] =	vst v0  }
0x218: {  	v0 =	vld [tilespmem:s12+$0x60];
	[tilespmem:s10+$0x90] =	vst v3;
	v2 =	vmul.f32 $8.000000000e+00, v2  }
0x219: {  	[tilespmem:s10+$0xFFFFFF10] =	vst v4;
	v3 =	vmul.f32 $8.000000000e+00, v5;
	v4 =	vld [tilespmem:s12+$0xA0]  }
0x21a: {  	v5 =	vld [tilespmem:s12+$0xFFFFFF20];
	v7 =	vmul.f32 $8.000000000e+00, v7;
	[tilespmem:s10+$0xE0] =	vst v2  }
0x21b: {  	[tilespmem:s10+$0xFFFFFF60] =	vst v3;
	v1 =	vmul.f32 $8.000000000e+00, v1;
	v3 =	vld [tilespmem:s12+$0xF0]  }
0x21c: {  	[tilespmem:s10+$0xFFFFFFA0] =	vst v7;
	v2 =	vmul.f32 $8.000000000e+00, v6;
	v8 =	vld [tilespmem:s12+$0xFFFFFF70]  }
0x21d: {  	v7 =	vld [tilespmem:s12+$0xFFFFFFB0];
	[tilespmem:s10+$0xFFFFFFE0] =	vst v1;
	v1 =	vmul.f32 $8.000000000e+00, v0  }
0x21e: {  	[tilespmem:s10+$0x20] =	vst v2;
	v0 =	vld [tilespmem:s12+$0xFFFFFFF0];
	v4 =	vmul.f32 $8.000000000e+00, v4  }
0x21f: {  	v5 =	vmul.f32 $8.000000000e+00, v5;
	v2 =	vld [tilespmem:s12+$0x30];
	[tilespmem:s10+$0x60] =	vst v1  }
0x220: {  	v1 =	vld [tilespmem:s12+$0x70];
	[tilespmem:s10+$0xA0] =	vst v4;
	v9 =	vmul.f32 $8.000000000e+00, v3  }
0x221: {  	[tilespmem:s10+$0xFFFFFF20] =	vst v5;
	v3 =	vld [tilespmem:s12+$0xB0];
	v6 =	vmul.f32 $8.000000000e+00, v8  }
0x222: {  	s11 =	simm.s32 $0x0;
	v4 =	vld [tilespmem:s12+$0xFFFFFF30];
	v5 =	vmul.f32 $8.000000000e+00, v7;
	s12 =	simm.s32 $0xA700;
	[tilespmem:s10+$0xF0] =	vst v9  }
.LBB2_16:
0x223: {  	v7 =	vld [tilespmem:s12+$0xC0];
	s11 =	sadd.s32 $0x8, s11;
	[tilespmem:s10+$0xFFFFFF70] =	vst v6;
	v0 =	vmul.f32 $8.000000000e+00, v0  }
0x224: {  	v6 =	vld [tilespmem:s12+$0xFFFFFF40];
	p0 =	slt.u32 s11, $0x78;
	[tilespmem:s10+$0xFFFFFFB0] =	vst v5;
	v2 =	vmul.f32 $8.000000000e+00, v2  }
0x225: {  	v5 =	vld [tilespmem:s12+$0xFFFFFF80];
	[tilespmem:s10+$0xFFFFFFF0] =	vst v0;
	v0 =	vmul.f32 $8.000000000e+00, v1  }
0x226: {  	v1 =	vld [tilespmem:s12+$0xFFFFFFC0];
	[tilespmem:s10+$0x30] =	vst v2;
	v2 =	vmul.f32 $8.000000000e+00, v3  }
0x227: {  	v3 =	vld [tilespmem:s12+$0x0];
	v4 =	vmul.f32 $8.000000000e+00, v4;
	[tilespmem:s10+$0x70] =	vst v0  }
0x228: {  	v0 =	vld [tilespmem:s12+$0x40];
	v7 =	vmul.f32 $8.000000000e+00, v7;
	[tilespmem:s10+$0xB0] =	vst v2  }
0x229: {  	v2 =	vmul.f32 $8.000000000e+00, v6;
	v6 =	vld [tilespmem:s12+$0x80];
	[tilespmem:s10+$0xFFFFFF30] =	vst v4;
	s10 =	sadd.s32 $0x200, s10  }
0x22a: {  	v4 =	vld [tilespmem:s12+$0xFFFFFF00];
	v5 =	vmul.f32 $8.000000000e+00, v5;
	[tilespmem:s10+$0xC0] =	vst v7  }
0x22b: {  	[tilespmem:s10+$0xFFFFFF40] =	vst v2;
	v1 =	vmul.f32 $8.000000000e+00, v1;
	v2 =	vld [tilespmem:s12+$0xD0]  }
0x22c: {  	v7 =	vld [tilespmem:s12+$0xFFFFFF50];
	[tilespmem:s10+$0xFFFFFF80] =	vst v5;
	v3 =	vmul.f32 $8.000000000e+00, v3  }
0x22d: {  	v5 =	vld [tilespmem:s12+$0xFFFFFF90];
	[tilespmem:s10+$0xFFFFFFC0] =	vst v1;
	v0 =	vmul.f32 $8.000000000e+00, v0  }
0x22e: {  	v1 =	vld [tilespmem:s12+$0xFFFFFFD0];
	[tilespmem:s10+$0x0] =	vst v3;
	v3 =	vmul.f32 $8.000000000e+00, v6  }
0x22f: {  	v4 =	vmul.f32 $8.000000000e+00, v4;
	v6 =	vld [tilespmem:s12+$0x10];
	[tilespmem:s10+$0x40] =	vst v0  }
0x230: {  	v0 =	vld [tilespmem:s12+$0x50];
	[tilespmem:s10+$0x80] =	vst v3;
	v2 =	vmul.f32 $8.000000000e+00, v2  }
0x231: {  	[tilespmem:s10+$0xFFFFFF00] =	vst v4;
	v3 =	vmul.f32 $8.000000000e+00, v7;
	v4 =	vld [tilespmem:s12+$0x90]  }
0x232: {  	v7 =	vld [tilespmem:s12+$0xFFFFFF10];
	v5 =	vmul.f32 $8.000000000e+00, v5;
	[tilespmem:s10+$0xD0] =	vst v2  }
0x233: {  	[tilespmem:s10+$0xFFFFFF50] =	vst v3;
	v1 =	vmul.f32 $8.000000000e+00, v1;
	v2 =	vld [tilespmem:s12+$0xE0]  }
0x234: {  	v3 =	vld [tilespmem:s12+$0xFFFFFF60];
	[tilespmem:s10+$0xFFFFFF90] =	vst v5;
	v5 =	vmul.f32 $8.000000000e+00, v6  }
0x235: {  	v6 =	vld [tilespmem:s12+$0xFFFFFFA0];
	[tilespmem:s10+$0xFFFFFFD0] =	vst v1;
	v0 =	vmul.f32 $8.000000000e+00, v0  }
0x236: {  	v1 =	vld [tilespmem:s12+$0xFFFFFFE0];
	[tilespmem:s10+$0x10] =	vst v5;
	v4 =	vmul.f32 $8.000000000e+00, v4  }
0x237: {  	v5 =	vmul.f32 $8.000000000e+00, v7;
	v7 =	vld [tilespmem:s12+$0x20];
	[tilespmem:s10+$0x50] =	vst v0  }
0x238: {  	v0 =	vld [tilespmem:s12+$0x60];
	[tilespmem:s10+$0x90] =	vst v4;
	v2 =	vmul.f32 $8.000000000e+00, v2  }
0x239: {  	[tilespmem:s10+$0xFFFFFF10] =	vst v5;
	v3 =	vmul.f32 $8.000000000e+00, v3;
	v4 =	vld [tilespmem:s12+$0xA0]  }
0x23a: {  	v5 =	vld [tilespmem:s12+$0xFFFFFF20];
	v6 =	vmul.f32 $8.000000000e+00, v6;
	[tilespmem:s10+$0xE0] =	vst v2  }
0x23b: {  	[tilespmem:s10+$0xFFFFFF60] =	vst v3;
	v1 =	vmul.f32 $8.000000000e+00, v1;
	v3 =	vld [tilespmem:s12+$0xF0]  }
0x23c: {  	v8 =	vld [tilespmem:s12+$0xFFFFFF70];
	[tilespmem:s10+$0xFFFFFFA0] =	vst v6;
	v2 =	vmul.f32 $8.000000000e+00, v7  }
0x23d: {  	v7 =	vld [tilespmem:s12+$0xFFFFFFB0];
	[tilespmem:s10+$0xFFFFFFE0] =	vst v1;
	v1 =	vmul.f32 $8.000000000e+00, v0  }
.Ltmp7:
0x23e: {  	v0 =	vld [tilespmem:s12+$0xFFFFFFF0];
	[tilespmem:s10+$0x20] =	vst v2;
	v4 =	vmul.f32 $8.000000000e+00, v4;
	(pc) =	sbr.rel @p0 .LBB2_16-.Ltmp7, $4  }
0x23f: {  	v5 =	vmul.f32 $8.000000000e+00, v5;
	v2 =	vld [tilespmem:s12+$0x30];
	[tilespmem:s10+$0x60] =	vst v1  }
0x240: {  	v1 =	vld [tilespmem:s12+$0x70];
	[tilespmem:s10+$0xA0] =	vst v4;
	v9 =	vmul.f32 $8.000000000e+00, v3  }
0x241: {  	[tilespmem:s10+$0xFFFFFF20] =	vst v5;
	v6 =	vmul.f32 $8.000000000e+00, v8;
	v3 =	vld [tilespmem:s12+$0xB0]  }
0x242: {  	v4 =	vld [tilespmem:s12+$0xFFFFFF30];
	v5 =	vmul.f32 $8.000000000e+00, v7;
	[tilespmem:s10+$0xF0] =	vst v9;
	s12 =	sadd.s32 $0x200, s12  }
0x243: {  	[tilespmem:s10+$0xFFFFFF70] =	vst v6;
	v0 =	vmul.f32 $8.000000000e+00, v0  }
0x244: {  	[tilespmem:s10+$0xFFFFFFB0] =	vst v5;
	v2 =	vmul.f32 $8.000000000e+00, v2  }
0x245: {  	[tilespmem:s10+$0xFFFFFFF0] =	vst v0;
	v0 =	vmul.f32 $8.000000000e+00, v1  }
0x246: {  	[tilespmem:s10+$0x30] =	vst v2;
	v1 =	vmul.f32 $8.000000000e+00, v3  }
0x247: {  	v2 =	vmul.f32 $8.000000000e+00, v4;
	[tilespmem:s10+$0x70] =	vst v0  }
0x248: {  	[tilespmem:s10+$0xB0] =	vst v1  }
0x249: {  	[tilespmem:s10+$0xFFFFFF30] =	vst v2  }
0x24a: {  	s10 =	rddreg [dreg:$0x6]  }
0x24b: {  	[hbm4b:s10+s3] =	stream.linear.scatter [tilespmem:s29], [sflag:$0x7], $0x2000, $0x38;
	[tilespmem:$0x16400] =	vst v63  }
0x24c: {  	_ =	swait.ge [sflag:s30], $0x2000  }
0x24d: {  	[sflag:s30] =	ssyncset.done $0x0  }
0x24e: {  	[sflag:s30] =	ssyncadd.s32 $0xFFFFE000  }
0x24f: {  	_ =	swait.ge [sflag:s21], $0x2000  }
0x250: {  	[sflag:s21] =	ssyncset.done $0x0  }
0x251: {  	s12 =	simm.s32 $0xC500;
	[sflag:s21] =	ssyncadd.s32 $0xFFFFE000  }
0x252: {  	v0 =	vld [tilespmem:s12+$0xC0]  }
0x253: {  	v1 =	vld [tilespmem:s12+$0xFFFFFF40]  }
0x254: {  	v2 =	vld [tilespmem:s12+$0xFFFFFF80]  }
0x255: {  	v3 =	vld [tilespmem:s12+$0xFFFFFFC0]  }
0x256: {  	v4 =	vld [tilespmem:s12+$0x0]  }
0x257: {  	v5 =	vld [tilespmem:s12+$0x40];
	v0 =	vmul.f32 $8.000000000e+00, v0  }
0x258: {  	s10 =	simm.s32 $0x14500;
	v6 =	vld [tilespmem:s12+$0x80];
	v1 =	vmul.f32 $8.000000000e+00, v1  }
0x259: {  	v7 =	vld [tilespmem:s12+$0xFFFFFF00];
	v2 =	vmul.f32 $8.000000000e+00, v2;
	[tilespmem:s10+$0xC0] =	vst v0  }
0x25a: {  	[tilespmem:s10+$0xFFFFFF40] =	vst v1;
	v0 =	vmul.f32 $8.000000000e+00, v3;
	v1 =	vld [tilespmem:s12+$0xD0]  }
0x25b: {  	[tilespmem:s10+$0xFFFFFF80] =	vst v2;
	v2 =	vmul.f32 $8.000000000e+00, v4;
	v3 =	vld [tilespmem:s12+$0xFFFFFF50]  }
0x25c: {  	v4 =	vld [tilespmem:s12+$0xFFFFFF90];
	[tilespmem:s10+$0xFFFFFFC0] =	vst v0;
	v0 =	vmul.f32 $8.000000000e+00, v5  }
0x25d: {  	[tilespmem:s10+$0x0] =	vst v2;
	v2 =	vmul.f32 $8.000000000e+00, v6;
	v5 =	vld [tilespmem:s12+$0xFFFFFFD0]  }
0x25e: {  	v6 =	vmul.f32 $8.000000000e+00, v7;
	v7 =	vld [tilespmem:s12+$0x10];
	[tilespmem:s10+$0x40] =	vst v0  }
0x25f: {  	[tilespmem:s10+$0x80] =	vst v2;
	v0 =	vld [tilespmem:s12+$0x50];
	v1 =	vmul.f32 $8.000000000e+00, v1  }
0x260: {  	[tilespmem:s10+$0xFFFFFF00] =	vst v6;
	v2 =	vmul.f32 $8.000000000e+00, v3;
	v3 =	vld [tilespmem:s12+$0x90]  }
0x261: {  	v6 =	vld [tilespmem:s12+$0xFFFFFF10];
	v4 =	vmul.f32 $8.000000000e+00, v4;
	[tilespmem:s10+$0xD0] =	vst v1  }
0x262: {  	[tilespmem:s10+$0xFFFFFF50] =	vst v2;
	v1 =	vmul.f32 $8.000000000e+00, v5;
	v2 =	vld [tilespmem:s12+$0xE0]  }
0x263: {  	[tilespmem:s10+$0xFFFFFF90] =	vst v4;
	v4 =	vmul.f32 $8.000000000e+00, v7;
	v5 =	vld [tilespmem:s12+$0xFFFFFF60]  }
0x264: {  	v7 =	vld [tilespmem:s12+$0xFFFFFFA0];
	[tilespmem:s10+$0xFFFFFFD0] =	vst v1;
	v0 =	vmul.f32 $8.000000000e+00, v0  }
0x265: {  	[tilespmem:s10+$0x10] =	vst v4;
	v1 =	vld [tilespmem:s12+$0xFFFFFFE0];
	v3 =	vmul.f32 $8.000000000e+00, v3  }
0x266: {  	v4 =	vmul.f32 $8.000000000e+00, v6;
	v6 =	vld [tilespmem:s12+$0x20];
	[tilespmem:s10+$0x50] =	vst v0  }
0x267: {  	v0 =	vld [tilespmem:s12+$0x60];
	[tilespmem:s10+$0x90] =	vst v3;
	v2 =	vmul.f32 $8.000000000e+00, v2  }
0x268: {  	[tilespmem:s10+$0xFFFFFF10] =	vst v4;
	v3 =	vmul.f32 $8.000000000e+00, v5;
	v4 =	vld [tilespmem:s12+$0xA0]  }
0x269: {  	v5 =	vld [tilespmem:s12+$0xFFFFFF20];
	v7 =	vmul.f32 $8.000000000e+00, v7;
	[tilespmem:s10+$0xE0] =	vst v2  }
0x26a: {  	[tilespmem:s10+$0xFFFFFF60] =	vst v3;
	v1 =	vmul.f32 $8.000000000e+00, v1;
	v3 =	vld [tilespmem:s12+$0xF0]  }
0x26b: {  	[tilespmem:s10+$0xFFFFFFA0] =	vst v7;
	v2 =	vmul.f32 $8.000000000e+00, v6;
	v8 =	vld [tilespmem:s12+$0xFFFFFF70]  }
0x26c: {  	v7 =	vld [tilespmem:s12+$0xFFFFFFB0];
	[tilespmem:s10+$0xFFFFFFE0] =	vst v1;
	v1 =	vmul.f32 $8.000000000e+00, v0  }
0x26d: {  	[tilespmem:s10+$0x20] =	vst v2;
	v0 =	vld [tilespmem:s12+$0xFFFFFFF0];
	v4 =	vmul.f32 $8.000000000e+00, v4  }
0x26e: {  	v5 =	vmul.f32 $8.000000000e+00, v5;
	v2 =	vld [tilespmem:s12+$0x30];
	[tilespmem:s10+$0x60] =	vst v1  }
0x26f: {  	v1 =	vld [tilespmem:s12+$0x70];
	[tilespmem:s10+$0xA0] =	vst v4;
	v9 =	vmul.f32 $8.000000000e+00, v3  }
0x270: {  	[tilespmem:s10+$0xFFFFFF20] =	vst v5;
	v3 =	vld [tilespmem:s12+$0xB0];
	v6 =	vmul.f32 $8.000000000e+00, v8  }
0x271: {  	s11 =	simm.s32 $0x0;
	v4 =	vld [tilespmem:s12+$0xFFFFFF30];
	v5 =	vmul.f32 $8.000000000e+00, v7;
	s12 =	simm.s32 $0xC700;
	[tilespmem:s10+$0xF0] =	vst v9  }
.LBB2_18:
0x272: {  	v7 =	vld [tilespmem:s12+$0xC0];
	s11 =	sadd.s32 $0x8, s11;
	[tilespmem:s10+$0xFFFFFF70] =	vst v6;
	v0 =	vmul.f32 $8.000000000e+00, v0  }
0x273: {  	v6 =	vld [tilespmem:s12+$0xFFFFFF40];
	p0 =	slt.u32 s11, $0x78;
	[tilespmem:s10+$0xFFFFFFB0] =	vst v5;
	v2 =	vmul.f32 $8.000000000e+00, v2  }
0x274: {  	v5 =	vld [tilespmem:s12+$0xFFFFFF80];
	[tilespmem:s10+$0xFFFFFFF0] =	vst v0;
	v0 =	vmul.f32 $8.000000000e+00, v1  }
0x275: {  	v1 =	vld [tilespmem:s12+$0xFFFFFFC0];
	[tilespmem:s10+$0x30] =	vst v2;
	v2 =	vmul.f32 $8.000000000e+00, v3  }
0x276: {  	v3 =	vld [tilespmem:s12+$0x0];
	v4 =	vmul.f32 $8.000000000e+00, v4;
	[tilespmem:s10+$0x70] =	vst v0  }
0x277: {  	v0 =	vld [tilespmem:s12+$0x40];
	v7 =	vmul.f32 $8.000000000e+00, v7;
	[tilespmem:s10+$0xB0] =	vst v2  }
0x278: {  	v2 =	vmul.f32 $8.000000000e+00, v6;
	v6 =	vld [tilespmem:s12+$0x80];
	[tilespmem:s10+$0xFFFFFF30] =	vst v4;
	s10 =	sadd.s32 $0x200, s10  }
0x279: {  	v4 =	vld [tilespmem:s12+$0xFFFFFF00];
	v5 =	vmul.f32 $8.000000000e+00, v5;
	[tilespmem:s10+$0xC0] =	vst v7  }
0x27a: {  	[tilespmem:s10+$0xFFFFFF40] =	vst v2;
	v1 =	vmul.f32 $8.000000000e+00, v1;
	v2 =	vld [tilespmem:s12+$0xD0]  }
0x27b: {  	v7 =	vld [tilespmem:s12+$0xFFFFFF50];
	[tilespmem:s10+$0xFFFFFF80] =	vst v5;
	v3 =	vmul.f32 $8.000000000e+00, v3  }
0x27c: {  	v5 =	vld [tilespmem:s12+$0xFFFFFF90];
	[tilespmem:s10+$0xFFFFFFC0] =	vst v1;
	v0 =	vmul.f32 $8.000000000e+00, v0  }
0x27d: {  	v1 =	vld [tilespmem:s12+$0xFFFFFFD0];
	[tilespmem:s10+$0x0] =	vst v3;
	v3 =	vmul.f32 $8.000000000e+00, v6  }
0x27e: {  	v4 =	vmul.f32 $8.000000000e+00, v4;
	v6 =	vld [tilespmem:s12+$0x10];
	[tilespmem:s10+$0x40] =	vst v0  }
0x27f: {  	v0 =	vld [tilespmem:s12+$0x50];
	[tilespmem:s10+$0x80] =	vst v3;
	v2 =	vmul.f32 $8.000000000e+00, v2  }
0x280: {  	[tilespmem:s10+$0xFFFFFF00] =	vst v4;
	v3 =	vmul.f32 $8.000000000e+00, v7;
	v4 =	vld [tilespmem:s12+$0x90]  }
0x281: {  	v7 =	vld [tilespmem:s12+$0xFFFFFF10];
	v5 =	vmul.f32 $8.000000000e+00, v5;
	[tilespmem:s10+$0xD0] =	vst v2  }
0x282: {  	[tilespmem:s10+$0xFFFFFF50] =	vst v3;
	v1 =	vmul.f32 $8.000000000e+00, v1;
	v2 =	vld [tilespmem:s12+$0xE0]  }
0x283: {  	v3 =	vld [tilespmem:s12+$0xFFFFFF60];
	[tilespmem:s10+$0xFFFFFF90] =	vst v5;
	v5 =	vmul.f32 $8.000000000e+00, v6  }
0x284: {  	v6 =	vld [tilespmem:s12+$0xFFFFFFA0];
	[tilespmem:s10+$0xFFFFFFD0] =	vst v1;
	v0 =	vmul.f32 $8.000000000e+00, v0  }
0x285: {  	v1 =	vld [tilespmem:s12+$0xFFFFFFE0];
	[tilespmem:s10+$0x10] =	vst v5;
	v4 =	vmul.f32 $8.000000000e+00, v4  }
0x286: {  	v5 =	vmul.f32 $8.000000000e+00, v7;
	v7 =	vld [tilespmem:s12+$0x20];
	[tilespmem:s10+$0x50] =	vst v0  }
0x287: {  	v0 =	vld [tilespmem:s12+$0x60];
	[tilespmem:s10+$0x90] =	vst v4;
	v2 =	vmul.f32 $8.000000000e+00, v2  }
0x288: {  	[tilespmem:s10+$0xFFFFFF10] =	vst v5;
	v3 =	vmul.f32 $8.000000000e+00, v3;
	v4 =	vld [tilespmem:s12+$0xA0]  }
0x289: {  	v5 =	vld [tilespmem:s12+$0xFFFFFF20];
	v6 =	vmul.f32 $8.000000000e+00, v6;
	[tilespmem:s10+$0xE0] =	vst v2  }
0x28a: {  	[tilespmem:s10+$0xFFFFFF60] =	vst v3;
	v1 =	vmul.f32 $8.000000000e+00, v1;
	v3 =	vld [tilespmem:s12+$0xF0]  }
0x28b: {  	v8 =	vld [tilespmem:s12+$0xFFFFFF70];
	[tilespmem:s10+$0xFFFFFFA0] =	vst v6;
	v2 =	vmul.f32 $8.000000000e+00, v7  }
0x28c: {  	v7 =	vld [tilespmem:s12+$0xFFFFFFB0];
	[tilespmem:s10+$0xFFFFFFE0] =	vst v1;
	v1 =	vmul.f32 $8.000000000e+00, v0  }
.Ltmp8:
0x28d: {  	v0 =	vld [tilespmem:s12+$0xFFFFFFF0];
	[tilespmem:s10+$0x20] =	vst v2;
	v4 =	vmul.f32 $8.000000000e+00, v4;
	(pc) =	sbr.rel @p0 .LBB2_18-.Ltmp8, $4  }
0x28e: {  	v5 =	vmul.f32 $8.000000000e+00, v5;
	v2 =	vld [tilespmem:s12+$0x30];
	[tilespmem:s10+$0x60] =	vst v1  }
0x28f: {  	v1 =	vld [tilespmem:s12+$0x70];
	[tilespmem:s10+$0xA0] =	vst v4;
	v9 =	vmul.f32 $8.000000000e+00, v3  }
0x290: {  	[tilespmem:s10+$0xFFFFFF20] =	vst v5;
	v6 =	vmul.f32 $8.000000000e+00, v8;
	v3 =	vld [tilespmem:s12+$0xB0]  }
0x291: {  	v4 =	vld [tilespmem:s12+$0xFFFFFF30];
	v5 =	vmul.f32 $8.000000000e+00, v7;
	[tilespmem:s10+$0xF0] =	vst v9;
	s12 =	sadd.s32 $0x200, s12  }
0x292: {  	[tilespmem:s10+$0xFFFFFF70] =	vst v6;
	v0 =	vmul.f32 $8.000000000e+00, v0  }
0x293: {  	[tilespmem:s10+$0xFFFFFFB0] =	vst v5;
	v2 =	vmul.f32 $8.000000000e+00, v2  }
0x294: {  	[tilespmem:s10+$0xFFFFFFF0] =	vst v0;
	v61 =	vmul.f32 $8.000000000e+00, v1  }
0x295: {  	[tilespmem:s10+$0x30] =	vst v2;
	v62 =	vmul.f32 $8.000000000e+00, v3  }
0x296: {  	v63 =	vmul.f32 $8.000000000e+00, v4;
	[tilespmem:s10+$0x70] =	vst v61  }
0x297: {  	[tilespmem:s10+$0xB0] =	vst v62  }
0x298: {  	[tilespmem:s10+$0xFFFFFF30] =	vst v63  }
0x299: {  	s10 =	rddreg [dreg:$0x7]  }
0x29a: {  	[hbm4b:s10+s3] =	stream.linear.scatter [tilespmem:s31], [sflag:$0x8], $0x2000, $0x38;
	[tilespmem:$0x16400] =	vst v63  }
0x29b: {  	_ =	swait.ge [sflag:s1], $0x2000  }
0x29c: {  	[sflag:s1] =	ssyncset.done $0x0  }
0x29d: {  	[sflag:s1] =	ssyncadd.s32 $0xFFFFE000  }
0x29e: {  	_ =	swait.ge [sflag:s0], $0x2000  }
0x29f: {  	[sflag:s0] =	ssyncset.done $0x0  }
0x2a0: {  	[sflag:s0] =	ssyncadd.s32 $0xFFFFE000  }
0x2a1: {  	_ =	swait.ge [sflag:s19], $0x2000  }
0x2a2: {  	[sflag:s19] =	ssyncset.done $0x0  }
0x2a3: {  	[sflag:s19] =	ssyncadd.s32 $0xFFFFE000  }
0x2a4: {  	_ =	swait.ge [sflag:s21], $0x2000  }
0x2a5: {  	s6 =	sadd.s32 $0x1, s6;
	s15 =	rddreg [dreg:$0x8]  }
0x2a6: {  	p0 =	sne.s32 s6, s15  }
.Ltmp9:
0x2a7: {  	_ = 	snop;
	(pc) =	sbr.rel @p0 .LBB2_1-.Ltmp9, $3  }
0x2a8: {  	_ =	sdelay $0x1  }
0x2a9: {  	[sflag:s21] =	ssyncset.done $0x0  }
0x2aa: {  	[sflag:s21] =	ssyncadd.s32 $0xFFFFE000  }
0x2ab: {  	_ =	sfence.sel $0x180000  }
0x2ac: {  	[bflag:$0x0] =	sbarrier.arrive $0xFFFF  }
0x2ad: {  	_ =	strace $0x90000047  }
0x2ae: {  	s0 =	stileid.u32;
	[bflag:$0x2] =	sbarrier.arrive $0xFFFF  }
0x2af: {  	p0 =	sne.s32 s0, $0x0;
	s0 =	rddreg [dreg:$0x2]  }
0x2b0: {  	s0 =	sadd.s32 @!p0 $0x100000, s0  }
0x2b1: {  	[sflag:s0] =	ssyncadd.tile.s32 @!p0 $0x1;
	_ =	shalt  }
.Lfunc_end2:
_tile_overlayer_lowered:
.L_overlay_start_2:
0x2b2: {  	(tag) =	ssettag $0x2  }
0x2b3: {  	s0 =	rddreg [dreg:$0x0];
	s2 =	stileid.u32  }
0x2b4: {  	s1 =	rddreg [dreg:$0x1];
	p0 =	sne.s32 s2, $0x0  }
0x2b5: {  	s3 =	rddreg [dreg:$0x2];
	[bflag:$0x3] =	sbarrier.arrive $0xFFFF;
	s2 =	simm.s32 @!p0 $0x1C09  }
0x2b6: {  	[timem:s3], [sflag:s2] =	dma.local @!p0 [hbm:s0], s1  }
0x2b7: {  	s0 =	simm.s32 @!p0 $0x9  }
0x2b8: {  	_ =	swait.ge @!p0 [sflag:s0], s1  }
0x2b9: {  	s1 =	ssub.s32 @!p0 $0x0, s1;
	[sflag:s0] =	ssyncset.done @!p0 $0x0  }
0x2ba: {  	[sflag:s0] =	ssyncadd.s32 @!p0 s1  }
0x2bb: {  	[bflag:$0x3] =	sbarrier.arrive $0xFFFF  }
0x2bc: {  	_ =	shalt  }

// kernel: sparse-core-data-format-call.cloned.1.call-start
scs
called_computation_lowered:
.L_overlay_start_0:
0x0: {  	s2 =	sld [smem:$0x3FD9]  }
0x1: {  	s3 =	sld [smem:$0x3FFE];
	_ =	sdelay $0x1  }
0x2: {  	s1 =	srdreg.scid  }
0x3: {  	s0 =	sand.u32 $0x1, s1  }
0x4: {  	s18 =	sshll.u32 s0, $0xA;
	s2 =	sadd.s32 s3, s2  }
0x5: {  	s2 =	sadd.s32 s2, s18  }
0x6: {  	[smem:$0x3FC6] =	sst s2  }
0x7: {  	_ = 	snop  }
0x8: {  	s2 =	sld [smem:$0x3FD0];
	(tm) =	ssettm $0x1  }
0x9: {  	s19 =	sld [smem:$0x3FFB];
	_ =	sdelay $0x3  }
0xa: {  	_ =	strace s19  }
0xb: {  	s3 =	sld [smem:$0x3FFC];
	_ =	sdelay $0x3  }
0xc: {  	_ =	strace s3  }
0xd: {  	s3 =	sld [smem:$0x3FFD];
	_ =	sdelay $0x3  }
0xe: {  	_ =	strace s3  }
0xf: {  	_ =	strace $0x8FFFFFFF  }
0x10: {  	s20 =	sld [smem:$0x3FDB];
	_ =	sdelay $0x1  }
0x11: {  	s4 =	simm.s32 $_scs_section_size  }
0x12: {  	s5 =	simm.s32 $_size__tile_overlayer_lowered;
	s6 =	simm.s32 $_tile_overlayer_lowered  }
0x13: {  	s23 =	simm.s32 $0x1BFF;
	s22 =	sshll.u32 s6, $0x1;
	s3 =	sadd.s32 s4, s20  }
0x14: {  	s7 =	simm.s32 $0x0;
	s21 =	sshll.u32 s5, $0x1;
	s5 =	sadd.s32 s22, s3  }
0x15: {  	[timem:s7], [sflag:s23] =	dma.local [hbm:s5], s21  }
0x16: {  	_ =	swait.ge [sflag:s23], s21  }
0x17: {  	s4 =	ssub.s32 $0x0, s21;
	[sflag:s23] =	ssyncset.done $0x0  }
0x18: {  	[sflag:s23] =	ssyncadd.s32 s4;
	_ =	sdelay $0x1  }
0x19: {  	s24 =	simm.s32 $0x1B8B  }
0x1a: {  	_ =	swait.ge [sflag:s24], $0x1  }
0x1b: {  	[sflag:s24] =	ssyncset.done $0x0  }
0x1c: {  	s26 =	simm.s32 $0x1B8E;
	s25 =	sld [smem:$0x3FFE];
	[sflag:s24] =	ssyncadd.s32 $0xFFFFFFFF  }
0x1d: {  	s27 =	simm.s32 $execute0_lowered;
	[smem:$0x3FD2] =	sst s26  }
0x1e: {  	s5 =	sshll.u32 s27, $0x1;
	_ =	strace $0x80000049;
	[dreg:$0x1] =	wrdreg $0xFFFFFFFF  }
0x1f: {  	s28 =	simm.s32 $_size_execute0_lowered;
	s3 =	sadd.s32 s3, s5;
	[dreg:$0x0] =	wrdreg $0x0  }
0x20: {  	s5 =	sshll.u32 s28, $0x1;
	[dreg:$0x2] =	wrdreg s3  }
0x21: {  	[dreg:$0x3] =	wrdreg s5  }
0x22: {  	[dreg:$0x4] =	wrdreg $0xC0  }
0x23: {  	_ =	task [dreg:s7], $0x5FFFF  }
0x24: {  	[dreg:$0x1] =	wrdreg $0xFFFFFFFF  }
0x25: {  	[dreg:$0x0] =	wrdreg $0x60  }
0x26: {  	[dreg:$0x2] =	wrdreg s25  }
0x27: {  	[dreg:$0x3] =	wrdreg s2  }
0x28: {  	[dreg:$0x4] =	wrdreg $0x9  }
0x29: {  	_ =	task.clear_ibuf [dreg:s7], $0x5FFFF;
	_ =	strace $0x90000049  }
0x2a: {  	s29 =	simm.s32 $0x9;
	_ =	strace $0x8000004B  }
0x2b: {  	_ =	swait.ge [sflag:s29], $0x1  }
0x2c: {  	[sflag:s29] =	ssyncadd.s32 $0xFFFFFFFF  }
0x2d: {  	_ =	strace $0x9000004B  }
0x2e: {  	_ =	sfence  }
0x2f: {  	s30 =	sld [smem:$0x0];
	_ =	sdelay $0x2  }
0x30: {  	s31 =	sshll.u32 s1, $0xD;
	s1 =	sshrl.u32 s1, $0x2  }
0x31: {  	s3 =	sand.u32 $0x4000, s31;
	s1 =	sadd.s32 s1, s30  }
0x32: {  	s0 =	sor.u32 s3, s0;
	s1 =	sshll.u32 s1, $0x11  }
0x33: {  	s0 =	sor.u32 s1, s0  }
0x34: {  	s0 =	sadd.s32 $0x8F2B, s0  }
0x35: {  	[sflag:s0] =	ssyncadd.remote.s32 $0x1  }
0x36: {  	_ =	sfence.sel $0xFFFF  }
0x37: {  	[dreg:$0x0] =	wrdreg $0xFFFFFFFF;
	(pc) =	sbr.abs _section_cstart, $3  }
0x38: {  	[dreg:$0x1] =	wrdreg $0xFFFFFFFF  }
0x39: {  	_ =	task.clear_ibuf [dreg:s7], $0x2FFFF;
	_ =	strace $0x9FFFFFFF  }
0x3a: {  	(tm) =	ssettm $0x7FFFFFFF  }
0x3b: {  	_ =	shalt  }
tec
execute0_lowered:
.L_overlay_start_1:
0x0: {  	(tag) =	ssettag $0x1  }
0x1: {  	s0 =	srdreg.scid  }
0x2: {  	s1 =	sshll.u32 s0, $0x4  }
0x3: {  	s0 =	stileid.u32;
	s1 =	sand.u32 $0x10, s1  }
0x4: {  	s1 =	sor.u32 s0, s1  }
0x5: {  	s6 =	rddreg [dreg:$0x0];
	s4 =	simm.s32 $0x1;
	s2 =	sshll.u32 s1, $0x7  }
0x6: {  	s7 =	simm.s32 $0x2;
	s12 =	simm.s32 $0x0;
	s1 =	ssub.s32 $0x1000, s2  }
0x7: {  	s8 =	simm.s32 $0x8000;
	s13 =	simm.s32 $0x0;
	s3 =	sand.u32 $0xF80, s1  }
0x8: {  	s9 =	simm.s32 $0x0;
	s5 =	sshrl.u32 s1, $0xC;
	p0 =	sne.s32 s3, $0x0  }
.Ltmp0:
0x9: {  	s1 =	rddreg [dreg:$0x2];
	s4 =	simm.s32 @!p0 $0x0;
	(pc) =	sbr.rel .LBB1_1-.Ltmp0, $4  }
0xa: {  	s11 =	simm.s32 $0x0;
	s3 =	rddreg [dreg:$0x1];
	s5 =	sadd.s32 s4, s5  }
0xb: {  	_ =	strace $0x8000004A;
	s4 =	simm.s32 $0x1;
	s5 =	smul.u32 $0xC8, s5  }
0xc: {  	s6 =	sadd.s32 $0xA00, s6;
	s10 =	smov.u32 s2;
	[sflag:s4] =	ssyncpa.u1 $0x0  }
0xd: {  	p0 =	por $0x0, $0x0;
	[sflag:s7] =	ssyncpa.u1 $0x0;
	s7 =	sor.u32 $0x1, s5  }
.LBB1_4:
0xe: {  	s16 =	sshll.u32 s13, $0x3;
	s17 =	sand.u32 $0x78, s13  }
0xf: {  	s30 =	sand.u32 $0x7E00, s13;
	s12 =	sshll.u32 s12, $0xF;
	s16 =	sand.u32 $0xC00, s16  }
0x10: {  	[tilespmem:s15+$0x810 ss:$0x81] =	vst.msk $0xffff, v2;
	s31 =	sand.u32 $0x7, s13;
	s16 =	sor.u32 s17, s16;
	s17 =	sadd.s32 s3, s30  }
0x11: {  	[tilespmem:s15+$0x1020 ss:$0x81] =	vst.msk $0xffff, v0;
	s13 =	sshll.u32 s31, $0x12;
	s12 =	sadd.s32 s12, s17;
	s16 =	sshrl.u32 s16, $0x3  }
0x12: {  	[tilespmem:s15+$0x0 ss:$0x81] =	vst.msk $0xffff, v1;
	s13 =	sor.u32 $0x400, s13;
	s12 =	sadd.s32 s16, s12  }
0x13: {  	[hbm4b:s12+s13] =	stream.strided.scatter [tilespmem:s14], [sflag:$0x2], $0x2000, s8, s13, $0x20;
	[tilespmem:$0x8080] =	vst v63  }
.LBB1_5:
0x14: {  	s14 =	sadd.s32 $0x1, s9  }
0x15: {  	s12 =	sadd.s32 $0x1000, s10;
	s16 =	smov.u32 s10;
	p2 =	sgt.s32 s14, $0xC7  }
0x16: {  	s16 =	smov.u32 @p2 s12  }
0x17: {  	s14 =	simm.s32 @p2 $0x0;
	p2 =	sgt.s32 s16, $0xFFF  }
0x18: {  	s16 =	smov.u32 @p2 s2;
	p2 =	sne.s32 s11, s7  }
.Ltmp1:
0x19: {  	p1 =	slt.u32 s11, $0x2;
	(pc) =	sbr.rel @!p2 .LBB1_6-.Ltmp1, $4  }
0x1a: {  	s15 =	simm.s32 @!p1 $0x2  }
0x1b: {  	s13 =	smov.u32 s10;
	p0 =	por !p0, !p0;
	_ =	swait.ge @!p1 [sflag:s15], $0x2000  }
0x1c: {  	s12 =	smov.u32 s9;
	[sflag:s15] =	ssyncset.done @!p1 $0x0;
	s9 =	smov.u32 s14  }
0x1d: {  	s11 =	sadd.s32 $0x1, s11;
	[sflag:s15] =	ssyncadd.s32 @!p1 $0xFFFFE000;
	s10 =	smov.u32 s16  }
.LBB1_1:
0x1e: {  	p1 =	sge.u32 s11, s5  }
0x1f: {  	s14 =	sand.u32 @!p1 $0x1FFFFFF, s9  }
0x20: {  	s15 =	smulhi.u32 @!p1 $0x147AE15, s14;
	_ =	sdelay $0x1  }
0x21: {  	s15 =	smul.u32 @!p1 $0xC8, s15  }
0x22: {  	s16 =	sxor.u32 @!p1 $0xFFFFFFFF, s11;
	s17 =	smul.u32 @!p1 $0xC80, s10  }
0x23: {  	s31 =	sadd.s32 $0xFFFFFFFF, s11;
	s16 =	sshll.u32 @!p1 s16, $0xD;
	s14 =	ssub.s32 @!p1 s14, s15  }
0x24: {  	s15 =	sand.u32 @!p1 $0x2000, s16;
	s16 =	sadd.s32 @!p1 s6, s17;
	s14 =	sshll.u32 @!p1 s14, $0x4  }
0x25: {  	s17 =	simm.s32 @!p1 $0x6400;
	s14 =	sadd.s32 @!p1 s14, s16;
	s16 =	simm.s32 @!p1 $0x40  }
0x26: {  	[tilespmem:s15], [sflag:$0x1] =	stream.strided.gather @!p1 [hbm4b:s14+s16], $0x2000, s17, s16, $0x38;
	[tilespmem:$0x8080] =	vst v63  }
0x27: {  	p1 =	sge.u32 s31, s5  }
.Ltmp2:
0x28: {  	_ = 	snop;
	(pc) =	sbr.rel @p1 .LBB1_5-.Ltmp2, $1  }
0x29: {  	_ =	sdelay $0x3  }
0x2a: {  	s14 =	simm.s32 $0x1  }
0x2b: {  	_ =	swait.ge [sflag:s4], $0x2000;
	s14 =	simm.s32 @!p0 $0x0  }
0x2c: {  	[sflag:s4] =	ssyncset.done $0x0;
	s15 =	sshll.u32 s14, $0xD  }
0x2d: {  	[sflag:s4] =	ssyncadd.s32 $0xFFFFE000;
	s18 =	sor.u32 $0x20, s15  }
0x2e: {  	s14 =	smul.u32 $0x8100, s14;
	v3 =	vld [tilespmem:s18+$0x10]  }
0x2f: {  	s30 =	sand.u32 $0x1, s11;
	v2 =	vld [tilespmem:s18+$0xFFFFFFF0]  }
0x30: {  	s15 =	smul.u32 $0x8100, s30;
	s14 =	sshrl.u32 s14, $0x2;
	v0 =	vld [tilespmem:s18+$0x0]  }
0x31: {  	v1 =	vld [tilespmem:s18+$0xFFFFFFE0];
	s16 =	sor.u32 $0x4000, s14  }
0x32: {  	s31 =	sshrl.u32 s15, $0x2;
	s15 =	sadd.s32 $0x0, s16  }
0x33: {  	s17 =	simm.s32 $0x4;
	s18 =	sadd.s32 $0x40, s18;
	s14 =	sor.u32 $0x4000, s31;
	[tilespmem:s15+$0x1830 ss:$0x81] =	vst.msk $0xffff, v3  }
.LBB1_3:
0x34: {  	v3 =	vld [tilespmem:s18+$0x10];
	p1 =	sne.s32 s17, $0x1FC;
	[tilespmem:s15+$0x810 ss:$0x81] =	vst.msk $0xffff, v2;
	s19 =	smov.u32 s17;
	s17 =	sadd.s32 $0x4, s17  }
.Ltmp3:
0x35: {  	v2 =	vld [tilespmem:s18+$0xFFFFFFF0];
	[tilespmem:s15+$0x1020 ss:$0x81] =	vst.msk $0xffff, v0;
	(pc) =	sbr.rel @p1 .LBB1_3-.Ltmp3, $4  }
0x36: {  	v0 =	vld [tilespmem:s18+$0x0];
	[tilespmem:s15+$0x0 ss:$0x81] =	vst.msk $0xffff, v1  }
0x37: {  	s15 =	sshra.s32 s19, $0x2;
	v1 =	vld [tilespmem:s18+$0xFFFFFFE0]  }
0x38: {  	s15 =	sadd.s32 s15, s16  }
0x39: {  	s18 =	sadd.s32 $0x40, s18;
	[tilespmem:s15+$0x1830 ss:$0x81] =	vst.msk $0xffff, v3  }
.Ltmp4:
0x3a: {  	_ = 	snop;
	(pc) =	sbr.rel .LBB1_4-.Ltmp4, $1  }
0x3b: {  	_ =	sdelay $0x3  }
.LBB1_6:
0x3c: {  	_ =	sfence.sel $0x180000  }
0x3d: {  	s2 =	simm.s32 $0x1;
	[bflag:$0x0] =	sbarrier.arrive $0xFFFF  }
0x3e: {  	s31 =	simm.s32 $0x2;
	[sflag:s2] =	ssyncpa.u1 $0x1  }
0x3f: {  	[sflag:s31] =	ssyncpa.u1 $0x1  }
0x40: {  	p0 =	sne.s32 s0, $0x0;
	_ =	strace $0x9000004A  }
0x41: {  	s0 =	sadd.s32 @!p0 $0x100000, s1;
	[bflag:$0x2] =	sbarrier.arrive $0xFFFF  }
0x42: {  	[sflag:s0] =	ssyncadd.tile.s32 @!p0 $0x1;
	_ =	shalt  }
.Lfunc_end1:
_tile_overlayer_lowered:
.L_overlay_start_2:
0x43: {  	(tag) =	ssettag $0x2  }
0x44: {  	s0 =	rddreg [dreg:$0x0];
	s2 =	stileid.u32  }
0x45: {  	s1 =	rddreg [dreg:$0x1];
	p0 =	sne.s32 s2, $0x0  }
0x46: {  	s3 =	rddreg [dreg:$0x2];
	[bflag:$0x3] =	sbarrier.arrive $0xFFFF;
	s2 =	simm.s32 @!p0 $0x1C01  }
0x47: {  	[timem:s3], [sflag:s2] =	dma.local @!p0 [hbm:s0], s1  }
0x48: {  	s0 =	simm.s32 @!p0 $0x1  }
0x49: {  	_ =	swait.ge @!p0 [sflag:s0], s1  }
0x4a: {  	s1 =	ssub.s32 @!p0 $0x0, s1;
	[sflag:s0] =	ssyncset.done @!p0 $0x0  }
0x4b: {  	[sflag:s0] =	ssyncadd.s32 @!p0 s1  }
0x4c: {  	[bflag:$0x3] =	sbarrier.arrive $0xFFFF  }
0x4d: {  	_ =	shalt  }

</sc_bundles>
